<compile_context>
chip_gen: v7x
topology: tpu7x:2x2x1
jax: 0.10.2.dev20260603
libtpu: 0.0.44.dev20260713+nightly
codegen_flags: <defaults>
</compile_context>

<pallas_src>
import functools

import jax
import jax.numpy as jnp
from jax import lax
from jax.experimental import pallas as pl
from jax.experimental.pallas import tpu as pltpu
from jax.experimental.pallas import tpu_sc as plsc

D = 128
N_USER = 1000
BATCH = 8
DELTA = 2.5
TAU = 1.0

SC_CORES = 2
SC_SUBCORES = 16
NW = SC_CORES * SC_SUBCORES



def _sc_gather_scatter(hidden, sub, perm):
    n, d = hidden.shape
    e = sub.shape[0]
    per_w = e // NW
    ch = 128
    nch = per_w // ch
    rem = per_w - nch * ch
    sper = (n // NW) // 8 * 8
    srem = n - sper * NW
    sch = 104
    nsch = sper // sch
    assert nsch * sch == sper and rem % 8 == 0 and srem % 8 == 0
    assert rem == srem and rem >= 8

    mesh = plsc.VectorSubcoreMesh(core_axis_name="c", subcore_axis_name="s")

    @functools.partial(
        pl.kernel,
        out_type=[jax.ShapeDtypeStruct((e, d), jnp.float32),
                  jax.ShapeDtypeStruct((n, d), jnp.float32)],
        mesh=mesh,
        scratch_types=[
            pltpu.VMEM((ch,), jnp.int32),
            pltpu.VMEM((ch, d), jnp.float32),
            pltpu.VMEM((max(rem, 8),), jnp.int32),
            pltpu.VMEM((max(rem, 8), d), jnp.float32),
            pltpu.VMEM((sch,), jnp.int32),
            pltpu.SemaphoreType.DMA,
        ],
    )
    def k(hidden_hbm, sub_hbm, perm_hbm, out_hbm, hpn_hbm,
          idx_v, rows_v, idx_r, rows_r, idx_s, sem):
        wid = lax.axis_index("s") * SC_CORES + lax.axis_index("c")
        base = wid * per_w

        def gather_chunk(c, _):
            off = base + c * ch
            pltpu.sync_copy(sub_hbm.at[pl.ds(off, ch)], idx_v)
            pltpu.async_copy(hidden_hbm.at[idx_v], rows_v, sem).wait()
            pltpu.sync_copy(rows_v, out_hbm.at[pl.ds(off, ch)])
            return _

        lax.fori_loop(0, nch, gather_chunk, None)
        if rem:
            off = base + nch * ch
            pltpu.sync_copy(sub_hbm.at[pl.ds(off, rem)], idx_r)
            pltpu.async_copy(hidden_hbm.at[idx_r], rows_r, sem).wait()
            pltpu.sync_copy(rows_r, out_hbm.at[pl.ds(off, rem)])

        sbase = wid * sper

        def scatter_chunk(c, _):
            off = sbase + c * sch
            pltpu.sync_copy(perm_hbm.at[pl.ds(off, sch)], idx_s)
            pltpu.sync_copy(hidden_hbm.at[pl.ds(off, sch)],
                            rows_v.at[pl.ds(0, sch)])
            pltpu.async_copy(rows_v.at[pl.ds(0, sch)],
                             hpn_hbm.at[idx_s], sem).wait()
            return _

        lax.fori_loop(0, nsch, scatter_chunk, None)

        @pl.when(wid == NW - 1)
        def _():
            off = NW * sper
            pltpu.sync_copy(perm_hbm.at[pl.ds(off, srem)], idx_r)
            pltpu.sync_copy(hidden_hbm.at[pl.ds(off, srem)], rows_r)
            pltpu.async_copy(rows_r, hpn_hbm.at[idx_r], sem).wait()

    return k(hidden, sub, perm)



_SENT = 3.0e38


def _sc_segment_sums(msg, msgsq, obj):
    e, d = msg.shape
    n = 10000
    per_sc = e // SC_SUBCORES
    nch1 = per_sc // 128
    rem1 = per_sc - nch1 * 128
    zrows0 = 640
    assert rem1 % 8 == 0 and e % SC_SUBCORES == 0
    assert n - 15 * zrows0 == 400

    zblk = jnp.zeros((128, d), jnp.float32)

    mesh = plsc.VectorSubcoreMesh(core_axis_name="c", subcore_axis_name="s")

    @functools.partial(
        pl.kernel,
        out_type=[jax.ShapeDtypeStruct((n, d), jnp.float32),
                  jax.ShapeDtypeStruct((n, d), jnp.float32)],
        mesh=mesh,
        scratch_types=[
            pltpu.VMEM((128,), jnp.int32),
            pltpu.VMEM((128, d), jnp.float32),
            pltpu.VMEM((rem1,), jnp.int32),
            pltpu.VMEM((rem1, d), jnp.float32),
            pltpu.VMEM_SHARED((n, d), jnp.float32),
            pltpu.SemaphoreType.DMA,
        ],
    )
    def k(msg_hbm, sq_hbm, obj_hbm, zblk_hbm, ssum_hbm, ssq_hbm,
          idx_v, rows_v, idx_r, rows_r, acc_sh, sem):
        cid = lax.axis_index("c")
        sid = lax.axis_index("s")
        zbase = sid * zrows0

        @pl.when(sid < SC_SUBCORES - 1)
        def _():
            def zero_chunk(c, _):
                pltpu.sync_copy(zblk_hbm, acc_sh.at[pl.ds(zbase + c * 128, 128)])
                return _

            lax.fori_loop(0, 5, zero_chunk, None)

        @pl.when(sid == SC_SUBCORES - 1)
        def _():
            def zero_chunk(c, _):
                pltpu.sync_copy(zblk_hbm, acc_sh.at[pl.ds(zbase + c * 128, 128)])
                return _

            lax.fori_loop(0, 3, zero_chunk, None)
            pltpu.sync_copy(zblk_hbm.at[pl.ds(0, 16)],
                            acc_sh.at[pl.ds(zbase + 384, 16)])

        plsc.subcore_barrier()

        estart = sid * per_sc

        def add_chunk(c, _):
            off = estart + c * 128
            pltpu.sync_copy(obj_hbm.at[pl.ds(off, 128)], idx_v)

            @pl.when(cid == 0)
            def _():
                pltpu.sync_copy(msg_hbm.at[pl.ds(off, 128)], rows_v)

            @pl.when(cid == 1)
            def _():
                pltpu.sync_copy(sq_hbm.at[pl.ds(off, 128)], rows_v)

            pltpu.sync_copy(rows_v, acc_sh.at[idx_v], add=True)
            return _

        lax.fori_loop(0, nch1, add_chunk, None)
        if rem1:
            off = estart + nch1 * 128
            pltpu.sync_copy(obj_hbm.at[pl.ds(off, rem1)], idx_r)

            @pl.when(cid == 0)
            def _():
                pltpu.sync_copy(msg_hbm.at[pl.ds(off, rem1)], rows_r)

            @pl.when(cid == 1)
            def _():
                pltpu.sync_copy(sq_hbm.at[pl.ds(off, rem1)], rows_r)

            pltpu.sync_copy(rows_r, acc_sh.at[idx_r], add=True)

        plsc.subcore_barrier()

        def dump128(off):
            pltpu.sync_copy(acc_sh.at[pl.ds(off, 128)], rows_v)

            @pl.when(cid == 0)
            def _():
                pltpu.sync_copy(rows_v, ssum_hbm.at[pl.ds(off, 128)])

            @pl.when(cid == 1)
            def _():
                pltpu.sync_copy(rows_v, ssq_hbm.at[pl.ds(off, 128)])

        @pl.when(sid < SC_SUBCORES - 1)
        def _():
            def dump_chunk(c, _):
                dump128(zbase + c * 128)
                return _

            lax.fori_loop(0, 5, dump_chunk, None)

        @pl.when(sid == SC_SUBCORES - 1)
        def _():
            def dump_chunk(c, _):
                dump128(zbase + c * 128)
                return _

            lax.fori_loop(0, 3, dump_chunk, None)
            off = zbase + 384
            pltpu.sync_copy(acc_sh.at[pl.ds(off, 16)], rows_v.at[pl.ds(0, 16)])

            @pl.when(cid == 0)
            def _():
                pltpu.sync_copy(rows_v.at[pl.ds(0, 16)],
                                ssum_hbm.at[pl.ds(off, 16)])

            @pl.when(cid == 1)
            def _():
                pltpu.sync_copy(rows_v.at[pl.ds(0, 16)],
                                ssq_hbm.at[pl.ds(off, 16)])

    return k(msg, msgsq, obj, zblk)



def _smm_body(obj_ref, msg_ref, mx_ref, mn_ref, cnt_ref, *, ec):
    i = pl.program_id(0)

    @pl.when(i == 0)
    def _():
        mx_ref[...] = jnp.full(mx_ref.shape, -_SENT, jnp.float32)
        mn_ref[...] = jnp.full(mn_ref.shape, _SENT, jnp.float32)
        cnt_ref[...] = jnp.zeros(cnt_ref.shape, jnp.float32)

    def step(k, _):
        o = obj_ref[0, 0, k]
        row = msg_ref[pl.ds(k, 1), :]
        mx_ref[pl.ds(o, 1), :] = jnp.maximum(mx_ref[pl.ds(o, 1), :], row)
        mn_ref[pl.ds(o, 1), :] = jnp.minimum(mn_ref[pl.ds(o, 1), :], row)
        cnt_ref[pl.ds(o, 1), :] = cnt_ref[pl.ds(o, 1), :] + 1.0
        return _

    lax.fori_loop(0, ec, step, None)


def _seg_maxmin(messages, obj, n, ec=2000):
    e, d = messages.shape
    return pl.pallas_call(
        functools.partial(_smm_body, ec=ec),
        grid=(e // ec,),
        in_specs=[
            pl.BlockSpec((1, 1, ec), lambda i: (i, 0, 0),
                         memory_space=pltpu.SMEM),
            pl.BlockSpec((ec, d), lambda i: (i, 0)),
        ],
        out_specs=[pl.BlockSpec((n, d), lambda i: (0, 0)),
                   pl.BlockSpec((n, d), lambda i: (0, 0)),
                   pl.BlockSpec((n, 1), lambda i: (0, 0))],
        out_shape=[jax.ShapeDtypeStruct((n, d), jnp.float32),
                   jax.ShapeDtypeStruct((n, d), jnp.float32),
                   jax.ShapeDtypeStruct((n, 1), jnp.float32)],
    )(obj.reshape(e // ec, 1, ec), messages)



def _msg_body(hs_ref, rel_ref, wh_ref, bh_ref, relgi_ref, out_ref, outsq_ref):
    hs = hs_ref[...]
    gh = jnp.dot(hs, wh_ref[...], preferred_element_type=jnp.float32)
    gh = gh + bh_ref[...]
    rel = rel_ref[0, 0, :]
    nrel = relgi_ref.shape[0]
    oh = (rel[:, None] == lax.broadcasted_iota(jnp.int32, (rel.shape[0], nrel), 1)
          ).astype(jnp.float32)
    gi = jnp.dot(oh, relgi_ref[...], preferred_element_type=jnp.float32)
    d = hs.shape[1]
    i_r, i_z, i_n = gi[:, :d], gi[:, d:2 * d], gi[:, 2 * d:]
    h_r, h_z, h_n = gh[:, :d], gh[:, d:2 * d], gh[:, 2 * d:]
    r = jax.nn.sigmoid(i_r + h_r)
    z = jax.nn.sigmoid(i_z + h_z)
    n = jnp.tanh(i_n + r * h_n)
    msg = (1.0 - z) * n + z * hs
    out_ref[...] = msg
    outsq_ref[...] = msg * msg


def _compute_messages(hs_g, rel, gru_Wh, gru_bh, rel_gi, eb=2000):
    e = hs_g.shape[0]
    d = hs_g.shape[1]
    nrel = rel_gi.shape[0]
    nb = e // eb
    rel3 = rel.reshape(nb, 1, eb)
    return pl.pallas_call(
        _msg_body,
        grid=(nb,),
        in_specs=[
            pl.BlockSpec((eb, d), lambda i: (i, 0)),
            pl.BlockSpec((1, 1, eb), lambda i: (i, 0, 0)),
            pl.BlockSpec((d, 3 * d), lambda i: (0, 0)),
            pl.BlockSpec((1, 3 * d), lambda i: (0, 0)),
            pl.BlockSpec((nrel, 3 * d), lambda i: (0, 0)),
        ],
        out_specs=[pl.BlockSpec((eb, d), lambda i: (i, 0)),
                   pl.BlockSpec((eb, d), lambda i: (i, 0))],
        out_shape=[jax.ShapeDtypeStruct((e, d), jnp.float32),
                   jax.ShapeDtypeStruct((e, d), jnp.float32)],
    )(hs_g, rel3, gru_Wh, gru_bh.reshape(1, 3 * d), rel_gi)



def _pna_body(ssum_ref, sq_ref, mx_ref, mn_ref, deg_ref, cnt01_ref,
              hpn_ref, nodes_ref, pnaw_ref, pnab_ref,
              ht_ref, usum_ref, ucnt_ref):
    i = pl.program_id(0)
    deg = deg_ref[...]
    inv = 1.0 / deg
    cnt01 = cnt01_ref[...]
    mean = ssum_ref[...] * inv
    var = jnp.maximum(sq_ref[...] * inv - mean * mean, 0.0)
    std = jnp.sqrt(var + 1e-6)
    mx = jnp.where(cnt01 > 0.0, mx_ref[...], 0.0)
    mn = jnp.where(cnt01 > 0.0, mn_ref[...], 0.0)
    aggs = jnp.concatenate([mean, mx, mn, std], axis=1)
    logd = jnp.log(deg + 1.0)
    s_amp = logd * (1.0 / DELTA)
    s_att = DELTA / logd
    feat = jnp.concatenate(
        [hpn_ref[...], aggs, aggs * s_amp, aggs * s_att], axis=1)
    ht = jnp.dot(feat, pnaw_ref[...], preferred_element_type=jnp.float32)
    ht = ht + pnab_ref[...]
    ht_ref[...] = ht

    nodes = nodes_ref[...]
    n_batch = nodes[:, 0]
    n_id = nodes[:, 1]
    uw = (n_id < N_USER).astype(jnp.float32)
    oh = (n_batch[:, None] == lax.broadcasted_iota(
        jnp.int32, (nodes.shape[0], BATCH), 1)).astype(jnp.float32)
    hw = ht * uw[:, None]
    usum_part = lax.dot_general(oh, hw, (((0,), (0,)), ((), ())),
                                preferred_element_type=jnp.float32)
    uw2 = jnp.broadcast_to(uw[:, None], ht.shape)
    ucnt_part = lax.dot_general(oh, uw2, (((0,), (0,)), ((), ())),
                                preferred_element_type=jnp.float32)

    @pl.when(i == 0)
    def _():
        usum_ref[...] = jnp.zeros_like(usum_ref)
        ucnt_ref[...] = jnp.zeros_like(ucnt_ref)

    usum_ref[...] += usum_part
    ucnt_ref[...] += ucnt_part


def _pna(ssum, sq, mx, mn, deg, cnt01, hpn, nodes, pna_W, pna_b, nbk=1000):
    n, d = ssum.shape
    grid = (n // nbk,)
    blk = lambda w: pl.BlockSpec((nbk, w), lambda i: (i, 0))
    fix = lambda s: pl.BlockSpec(s, lambda i: tuple(0 for _ in s))
    return pl.pallas_call(
        _pna_body,
        grid=grid,
        in_specs=[blk(d), blk(d), blk(d), blk(d), blk(1), blk(1), blk(d),
                  blk(2), fix((13 * d, d)), fix((1, d))],
        out_specs=[blk(d), fix((BATCH, d)), fix((BATCH, d))],
        out_shape=[jax.ShapeDtypeStruct((n, d), jnp.float32),
                   jax.ShapeDtypeStruct((BATCH, d), jnp.float32),
                   jax.ShapeDtypeStruct((BATCH, d), jnp.float32)],
    )(ssum, sq, mx, mn, deg, cnt01, hpn, nodes, pna_W, pna_b.reshape(1, d))



def _prune_body(ht_ref, nodes_ref, huser_ref, w1_ref, b1_ref, w2_ref, b2_ref,
                hg_ref, alpha_ref):
    ht = ht_ref[...]
    nodes = nodes_ref[...]
    n_batch = nodes[:, 0]
    oh = (n_batch[:, None] == lax.broadcasted_iota(
        jnp.int32, (nodes.shape[0], BATCH), 1)).astype(jnp.float32)
    hu = jnp.dot(oh, huser_ref[...], preferred_element_type=jnp.float32)
    feat = jnp.concatenate([hu, ht], axis=1)
    l1 = jnp.maximum(
        jnp.dot(feat, w1_ref[...], preferred_element_type=jnp.float32)
        + b1_ref[...], 0.0)
    logit = jnp.dot(l1, w2_ref[...], preferred_element_type=jnp.float32)
    logit = logit + b2_ref[...]
    alpha = jax.nn.sigmoid(logit * (1.0 / TAU))
    alpha_ref[...] = alpha
    hg_ref[...] = alpha * ht


def _prune(ht, nodes, h_user, pr_W1, pr_b1, pr_W2, pr_b2, nbk=1000):
    n, d = ht.shape
    hid = pr_W1.shape[1]
    w2p = jnp.broadcast_to(pr_W2, (hid, d))
    b2p = jnp.broadcast_to(pr_b2.reshape(1, 1), (1, d))
    grid = (n // nbk,)
    blk = lambda w: pl.BlockSpec((nbk, w), lambda i: (i, 0))
    fix = lambda s: pl.BlockSpec(s, lambda i: tuple(0 for _ in s))
    return pl.pallas_call(
        _prune_body,
        grid=grid,
        in_specs=[blk(d), blk(2), fix((BATCH, d)), fix((2 * d, hid)),
                  fix((1, hid)), fix((hid, d)), fix((1, d))],
        out_specs=[blk(d), blk(d)],
        out_shape=[jax.ShapeDtypeStruct((n, d), jnp.float32),
                   jax.ShapeDtypeStruct((n, d), jnp.float32)],
    )(ht, nodes, h_user, pr_W1, pr_b1.reshape(1, hid), w2p, b2p)



def kernel(q_sub, q_rel, hidden, edges, nodes, id_layer, n_layer,
           old_nodes_new_idx, rel_table, gru_Wi, gru_Wh, gru_bi, gru_bh,
           pna_W, pna_b, pr_W1, pr_b1, pr_W2, pr_b2):
    n, d = hidden.shape
    e = edges.shape[0]

    sub = edges[:, 4]
    rel = edges[:, 2]
    obj = edges[:, 5]

    rel_gi = rel_table @ gru_Wi + gru_bi

    sub_c = jnp.asarray(sub, jnp.int32)
    obj_c = jnp.asarray(obj, jnp.int32)
    hs_g, hpn = _sc_gather_scatter(hidden, sub_c, old_nodes_new_idx)
    messages, messages_sq = _compute_messages(hs_g, rel, gru_Wh, gru_bh,
                                              rel_gi)

    ssum, sq = _sc_segment_sums(messages, messages_sq, obj_c)
    mx, mn, cnt2d = _seg_maxmin(messages, obj_c, n)
    cnt = cnt2d[:, 0]

    deg = jnp.maximum(cnt, 1.0).reshape(n, 1)
    cnt01 = (cnt > 0).astype(jnp.float32).reshape(n, 1)

    ht, usum, ucnt = _pna(ssum, sq, mx, mn, deg, cnt01, hpn, nodes,
                          pna_W, pna_b)
    h_user = usum / jnp.maximum(ucnt, 1.0)

    h_gated, alpha2 = _prune(ht, nodes, h_user, pr_W1, pr_b1, pr_W2, pr_b2)
    alpha = alpha2[:, 0]

    sampled_nodes_idx = jnp.ones((n,), dtype=bool)
    final_nodes = jnp.array([0], dtype=jnp.int32)
    return (h_gated, nodes, final_nodes, old_nodes_new_idx,
            sampled_nodes_idx, alpha, edges)

# --- scband reference (transcript-rebuilt; emitter-appended) ---
"""Pipeline reference for scband-adaptive-subgraph-layer-25984552141028 (READ-ONLY COPY).

The authoritative reference and input builder live on the scoring server;
editing this copy changes nothing except your own understanding.
"""

import jax, jax.numpy as jnp
import numpy as np

N_NODES = 10000
E = 320000
D = 128
B = 8
N_USER = 1000
N_ITEM = 5000
N_REL = 16
REL_VOCAB = 2 * N_REL + 1 + 2
HID = 64
DELTA = 2.5
TAU = 1.0


def setup_inputs(seed: int = 0):
    key = jax.random.key(seed)
    ks = jax.random.split(key, 20)
    q_sub = jax.random.randint(ks[0], (B,), 0, N_USER, dtype=jnp.int32)
    q_rel = jax.random.randint(ks[1], (B,), 0, N_REL, dtype=jnp.int32)
    hidden = jax.random.normal(ks[2], (N_NODES, D), dtype=jnp.float32)
    e_batch = jax.random.randint(ks[3], (E,), 0, B, dtype=jnp.int32)
    e_head = jax.random.randint(ks[4], (E,), 0, N_NODES, dtype=jnp.int32)
    e_rel = jax.random.randint(ks[5], (E,), 0, REL_VOCAB, dtype=jnp.int32)
    e_tail = jax.random.randint(ks[6], (E,), 0, N_NODES, dtype=jnp.int32)
    e_old = jax.random.randint(ks[7], (E,), 0, N_NODES, dtype=jnp.int32)
    e_new = jax.random.randint(ks[8], (E,), 0, N_NODES, dtype=jnp.int32)
    edges = jnp.stack([e_batch, e_head, e_rel, e_tail, e_old, e_new], axis=1)
    n_batch = jax.random.randint(ks[9], (N_NODES,), 0, B, dtype=jnp.int32)
    n_id = jax.random.randint(ks[10], (N_NODES,), 0, N_NODES, dtype=jnp.int32)
    nodes = jnp.stack([n_batch, n_id], axis=1)
    old_nodes_new_idx = jax.random.permutation(ks[11], N_NODES).astype(jnp.int32)
    s = 1.0 / np.sqrt(D)
    rel_table = jax.random.normal(ks[12], (REL_VOCAB, D), dtype=jnp.float32) * s
    gru_Wi = jax.random.normal(ks[13], (D, 3 * D), dtype=jnp.float32) * s
    gru_Wh = jax.random.normal(ks[14], (D, 3 * D), dtype=jnp.float32) * s
    gru_bi = jnp.zeros((3 * D,), dtype=jnp.float32)
    gru_bh = jnp.zeros((3 * D,), dtype=jnp.float32)
    pna_W = jax.random.normal(ks[15], (13 * D, D), dtype=jnp.float32) * (1.0 / np.sqrt(13 * D))
    pna_b = jnp.zeros((D,), dtype=jnp.float32)
    pr_W1 = jax.random.normal(ks[16], (2 * D, HID), dtype=jnp.float32) * (1.0 / np.sqrt(2 * D))
    pr_b1 = jnp.zeros((HID,), dtype=jnp.float32)
    pr_W2 = jax.random.normal(ks[17], (HID, 1), dtype=jnp.float32) * (1.0 / np.sqrt(HID))
    pr_b2 = jnp.zeros((1,), dtype=jnp.float32)
    return {
        'q_sub': q_sub, 'q_rel': q_rel, 'hidden': hidden, 'edges': edges, 'nodes': nodes,
        'id_layer': 0, 'n_layer': 3, 'old_nodes_new_idx': old_nodes_new_idx,
        'rel_table': rel_table, 'gru_Wi': gru_Wi, 'gru_Wh': gru_Wh, 'gru_bi': gru_bi, 'gru_bh': gru_bh,
        'pna_W': pna_W, 'pna_b': pna_b, 'pr_W1': pr_W1, 'pr_b1': pr_b1, 'pr_W2': pr_W2, 'pr_b2': pr_b2,
    }


def _core(hidden, rel_table, gru_Wi, gru_Wh, gru_bi, gru_bh, pna_W, pna_b, pr_W1, pr_b1, pr_W2, pr_b2, edges, nodes, old_nodes_new_idx):
    sub = edges[:, 4]
    rel = edges[:, 2]
    obj = edges[:, 5]
    hs = hidden[sub]
    hr = rel_table[rel]
    # GRU message function: input = relation embedding, hidden state = source node state
    gi = hr @ gru_Wi + gru_bi
    gh = hs @ gru_Wh + gru_bh
    i_r, i_z, i_n = jnp.split(gi, 3, axis=1)
    h_r, h_z, h_n = jnp.split(gh, 3, axis=1)
    r = jax.nn.sigmoid(i_r + h_r)
    z = jax.nn.sigmoid(i_z + h_z)
    n = jnp.tanh(i_n + r * h_n)
    messages = (1.0 - z) * n + z * hs
    N = nodes.shape[0]
    h_prev_new = jnp.zeros((N, hidden.shape[1]), dtype=hidden.dtype).at[old_nodes_new_idx].set(hidden)
    # Full PNA aggregation over destination nodes
    cnt = jax.ops.segment_sum(jnp.ones((messages.shape[0],), dtype=jnp.float32), obj, num_segments=N)
    deg = jnp.maximum(cnt, 1.0)
    ssum = jax.ops.segment_sum(messages, obj, num_segments=N)
    mean = ssum / deg[:, None]
    mx = jax.ops.segment_max(messages, obj, num_segments=N)
    mx = jnp.where(cnt[:, None] > 0, mx, 0.0)
    mn = -jax.ops.segment_max(-messages, obj, num_segments=N)
    mn = jnp.where(cnt[:, None] > 0, mn, 0.0)
    sq = jax.ops.segment_sum(messages * messages, obj, num_segments=N)
    var = jnp.maximum(sq / deg[:, None] - mean * mean, 0.0)
    std = jnp.sqrt(var + 1e-6)
    aggs = jnp.concatenate([mean, mx, mn, std], axis=1)
    logd = jnp.log(deg + 1.0)
    s_amp = (logd / DELTA)[:, None]
    s_att = (DELTA / logd)[:, None]
    agg = jnp.concatenate([aggs, aggs * s_amp, aggs * s_att], axis=1)
    h_tilde = jnp.concatenate([h_prev_new, agg], axis=1) @ pna_W + pna_b
    # per-batch mean of user-node states
    node_batch = nodes[:, 0]
    user_w = (nodes[:, 1] < N_USER).astype(jnp.float32)
    usum = jax.ops.segment_sum(h_tilde * user_w[:, None], node_batch, num_segments=B)
    ucnt = jax.ops.segment_sum(user_w, node_batch, num_segments=B)
    h_user = usum / jnp.maximum(ucnt, 1.0)[:, None]
    # Gumbel node pruner (deterministic sigmoid gate, temperature TAU)
    hu = h_user[node_batch]
    feat = jnp.concatenate([hu, h_tilde], axis=1)
    logit = jax.nn.relu(feat @ pr_W1 + pr_b1) @ pr_W2 + pr_b2
    alpha = jax.nn.sigmoid(logit[:, 0] / TAU)
    h_gated = alpha[:, None] * h_tilde
    return h_gated, alpha


def reference(q_sub, q_rel, hidden, edges, nodes, id_layer, n_layer, old_nodes_new_idx, rel_table, gru_Wi, gru_Wh, gru_bi, gru_bh, pna_W, pna_b, pr_W1, pr_b1, pr_W2, pr_b2):
    # id_layer=0 < n_layer-1, so the last-layer filtering branch is not taken
    h_gated, alpha = _core(hidden, rel_table, gru_Wi, gru_Wh, gru_bi, gru_bh, pna_W, pna_b, pr_W1, pr_b1, pr_W2, pr_b2, edges, nodes, old_nodes_new_idx)
    hidden_new = h_gated  # act is identity
    sampled_nodes_idx = jnp.ones((nodes.shape[0],), dtype=bool)
    final_nodes = jnp.array([0], dtype=jnp.int32)
    return (hidden_new, nodes, final_nodes, old_nodes_new_idx, sampled_nodes_idx, alpha, edges)

if __name__ == "__main__":
    import jax
    _d = setup_inputs()
    print(jax.jit(kernel)(*tuple(_d.values())))

</pallas_src>

<mosaic_0001>
#map = affine_map<(d0, d1) -> (0, 0)>
#map1 = affine_map<(d0, d1) -> (0)>
module attributes {stable_mosaic.version = 14 : i64} {
  func.func @k(%arg0: i32, %arg1: i32, %arg2: memref<10000x128xf32, #tpu.memory_space<hbm>>, %arg3: memref<320000xi32, #tpu.memory_space<hbm>>, %arg4: memref<10000xi32, #tpu.memory_space<hbm>>, %arg5: memref<320000x128xf32, #tpu.memory_space<hbm>>, %arg6: memref<10000x128xf32, #tpu.memory_space<hbm>>, %arg7: memref<128xi32, #tpu.memory_space<vmem>>, %arg8: memref<128x128xf32, #tpu.memory_space<vmem>>, %arg9: memref<16xi32, #tpu.memory_space<vmem>>, %arg10: memref<16x128xf32, #tpu.memory_space<vmem>>, %arg11: memref<104xi32, #tpu.memory_space<vmem>>, %arg12: memref<!tpu.dma_semaphore, #tpu.memory_space<semaphore_mem>>) attributes {dimension_semantics = [#tpu.dimension_semantics<core_parallel>, #tpu.dimension_semantics<subcore_parallel>], iteration_bounds = array<i64: 2, 16>, scalar_prefetch = 0 : i64, scratch_operands = 6 : i64, tpu.core_type = #tpu.core_type<sc_vector_subcore>, window_params = [{transform_indices = #map}, {transform_indices = #map1}, {transform_indices = #map1}, {transform_indices = #map}, {transform_indices = #map}]} {
    %mul3A = arith.constant 2 : i32
    %mul3A_0 = arith.muli %arg1, %mul3A : i32
    %add3A = arith.addi %mul3A_0, %arg0 : i32
    %mul3A_1 = arith.constant 10000 : i32
    %mul3A_2 = arith.muli %add3A, %mul3A_1 : i32
    %scan3A = arith.constant 0 : i32
    %scan3A_3 = arith.constant 78 : i32
    %scan3A_4 = arith.addi %scan3A, %scan3A_3 : i32
    %scan3A_5 = arith.constant 1 : i32
    scf.for %scan3A_22 = %scan3A to %scan3A_4 step %scan3A_5  : i32 {
      %mul3A_23 = arith.constant 128 : i32
      %mul3A_24 = arith.muli %scan3A_22, %mul3A_23 : i32
      %add3A_25 = arith.addi %mul3A_2, %mul3A_24 : i32
      "tpu.region"() ({
        %run_scoped3A = tpu.sem_alloc : memref<!tpu.dma_semaphore, #tpu.memory_space<semaphore_mem>>
        %dma_start3A_32 = tpu.memref_slice %arg3[%add3A_25] : memref<320000xi32, #tpu.memory_space<hbm>> -> memref<128xi32, #tpu.memory_space<hbm>>
        %dma_start3A_33 = tpu.memref_slice %arg3[%add3A_25] : memref<320000xi32, #tpu.memory_space<hbm>> -> memref<128xi32, #tpu.memory_space<hbm>>
        tpu.enqueue_dma source(%dma_start3A_33 : memref<128xi32, #tpu.memory_space<hbm>>) target(%arg7 : memref<128xi32, #tpu.memory_space<vmem>>) target_semaphore(%run_scoped3A : memref<!tpu.dma_semaphore, #tpu.memory_space<semaphore_mem>>)
        %dma_wait3A_34 = tpu.memref_slice %arg3[%add3A_25] : memref<320000xi32, #tpu.memory_space<hbm>> -> memref<128xi32, #tpu.memory_space<hbm>>
        %dma_wait3A_35 = tpu.memref_slice %arg3[%add3A_25] : memref<320000xi32, #tpu.memory_space<hbm>> -> memref<128xi32, #tpu.memory_space<hbm>>
        tpu.wait_dma2 semaphore(%run_scoped3A : memref<!tpu.dma_semaphore, #tpu.memory_space<semaphore_mem>>) src(%dma_wait3A_35 : memref<128xi32, #tpu.memory_space<hbm>>) dst(%arg7 : memref<128xi32, #tpu.memory_space<vmem>>)
        tpu.yield
      }) : () -> ()
      %dma_start3A_26 = arith.constant 0 : i32
      %dma_start3A_27 = arith.constant 0 : i32
      %dma_start3A_28 = tpu.memref_slice %arg2[%dma_start3A_26, %dma_start3A_27] : memref<10000x128xf32, #tpu.memory_space<hbm>> -> memref<10000x128xf32, #tpu.memory_space<hbm>>
      tpu.enqueue_indirect_dma source(%dma_start3A_28 : memref<10000x128xf32, #tpu.memory_space<hbm>>) target(%arg8 : memref<128x128xf32, #tpu.memory_space<vmem>>) offsets(%arg7 : memref<128xi32, #tpu.memory_space<vmem>>) semaphore(%arg12 : memref<!tpu.dma_semaphore, #tpu.memory_space<semaphore_mem>>)
      %dma_wait3A_29 = arith.constant 0 : i32
      %dma_wait3A_30 = arith.constant 0 : i32
      %dma_wait3A_31 = tpu.memref_slice %arg2[%dma_wait3A_29, %dma_wait3A_30] : memref<10000x128xf32, #tpu.memory_space<hbm>> -> memref<10000x128xf32, #tpu.memory_space<hbm>>
      tpu.wait_indirect_dma semaphore(%arg12 : memref<!tpu.dma_semaphore, #tpu.memory_space<semaphore_mem>>) src(%dma_wait3A_31 : memref<10000x128xf32, #tpu.memory_space<hbm>>) dst(%arg8 : memref<128x128xf32, #tpu.memory_space<vmem>>)
      "tpu.region"() ({
        %run_scoped3A = tpu.sem_alloc : memref<!tpu.dma_semaphore, #tpu.memory_space<semaphore_mem>>
        %dma_start3A_32 = arith.constant 0 : i32
        %dma_start3A_33 = tpu.memref_slice %arg5[%add3A_25, %dma_start3A_32] : memref<320000x128xf32, #tpu.memory_space<hbm>> -> memref<128x128xf32, #tpu.memory_space<hbm>>
        %dma_start3A_34 = arith.constant 0 : i32
        %dma_start3A_35 = tpu.memref_slice %arg5[%add3A_25, %dma_start3A_34] : memref<320000x128xf32, #tpu.memory_space<hbm>> -> memref<128x128xf32, #tpu.memory_space<hbm>>
        tpu.enqueue_dma source(%arg8 : memref<128x128xf32, #tpu.memory_space<vmem>>) target(%dma_start3A_35 : memref<128x128xf32, #tpu.memory_space<hbm>>) target_semaphore(%run_scoped3A : memref<!tpu.dma_semaphore, #tpu.memory_space<semaphore_mem>>)
        %dma_wait3A_36 = arith.constant 0 : i32
        %dma_wait3A_37 = tpu.memref_slice %arg5[%add3A_25, %dma_wait3A_36] : memref<320000x128xf32, #tpu.memory_space<hbm>> -> memref<128x128xf32, #tpu.memory_space<hbm>>
        %dma_wait3A_38 = arith.constant 0 : i32
        %dma_wait3A_39 = tpu.memref_slice %arg5[%add3A_25, %dma_wait3A_38] : memref<320000x128xf32, #tpu.memory_space<hbm>> -> memref<128x128xf32, #tpu.memory_space<hbm>>
        tpu.wait_dma2 semaphore(%run_scoped3A : memref<!tpu.dma_semaphore, #tpu.memory_space<semaphore_mem>>) src(%arg8 : memref<128x128xf32, #tpu.memory_space<vmem>>) dst(%dma_wait3A_39 : memref<128x128xf32, #tpu.memory_space<hbm>>)
        tpu.yield
      }) : () -> ()
    }
    %scan3A_6 = arith.constant 78 : i32
    %add3A_7 = arith.constant 9984 : i32
    %add3A_8 = arith.addi %mul3A_2, %add3A_7 : i32
    "tpu.region"() ({
      %run_scoped3A = tpu.sem_alloc : memref<!tpu.dma_semaphore, #tpu.memory_space<semaphore_mem>>
      %dma_start3A_22 = tpu.memref_slice %arg3[%add3A_8] : memref<320000xi32, #tpu.memory_space<hbm>> -> memref<16xi32, #tpu.memory_space<hbm>>
      %dma_start3A_23 = tpu.memref_slice %arg3[%add3A_8] : memref<320000xi32, #tpu.memory_space<hbm>> -> memref<16xi32, #tpu.memory_space<hbm>>
      tpu.enqueue_dma source(%dma_start3A_23 : memref<16xi32, #tpu.memory_space<hbm>>) target(%arg9 : memref<16xi32, #tpu.memory_space<vmem>>) target_semaphore(%run_scoped3A : memref<!tpu.dma_semaphore, #tpu.memory_space<semaphore_mem>>)
      %dma_wait3A_24 = tpu.memref_slice %arg3[%add3A_8] : memref<320000xi32, #tpu.memory_space<hbm>> -> memref<16xi32, #tpu.memory_space<hbm>>
      %dma_wait3A_25 = tpu.memref_slice %arg3[%add3A_8] : memref<320000xi32, #tpu.memory_space<hbm>> -> memref<16xi32, #tpu.memory_space<hbm>>
      tpu.wait_dma2 semaphore(%run_scoped3A : memref<!tpu.dma_semaphore, #tpu.memory_space<semaphore_mem>>) src(%dma_wait3A_25 : memref<16xi32, #tpu.memory_space<hbm>>) dst(%arg9 : memref<16xi32, #tpu.memory_space<vmem>>)
      tpu.yield
    }) : () -> ()
    %dma_start3A = arith.constant 0 : i32
    %dma_start3A_9 = arith.constant 0 : i32
    %dma_start3A_10 = tpu.memref_slice %arg2[%dma_start3A, %dma_start3A_9] : memref<10000x128xf32, #tpu.memory_space<hbm>> -> memref<10000x128xf32, #tpu.memory_space<hbm>>
    tpu.enqueue_indirect_dma source(%dma_start3A_10 : memref<10000x128xf32, #tpu.memory_space<hbm>>) target(%arg10 : memref<16x128xf32, #tpu.memory_space<vmem>>) offsets(%arg9 : memref<16xi32, #tpu.memory_space<vmem>>) semaphore(%arg12 : memref<!tpu.dma_semaphore, #tpu.memory_space<semaphore_mem>>)
    %dma_wait3A = arith.constant 0 : i32
    %dma_wait3A_11 = arith.constant 0 : i32
    %dma_wait3A_12 = tpu.memref_slice %arg2[%dma_wait3A, %dma_wait3A_11] : memref<10000x128xf32, #tpu.memory_space<hbm>> -> memref<10000x128xf32, #tpu.memory_space<hbm>>
    tpu.wait_indirect_dma semaphore(%arg12 : memref<!tpu.dma_semaphore, #tpu.memory_space<semaphore_mem>>) src(%dma_wait3A_12 : memref<10000x128xf32, #tpu.memory_space<hbm>>) dst(%arg10 : memref<16x128xf32, #tpu.memory_space<vmem>>)
    "tpu.region"() ({
      %run_scoped3A = tpu.sem_alloc : memref<!tpu.dma_semaphore, #tpu.memory_space<semaphore_mem>>
      %dma_start3A_22 = arith.constant 0 : i32
      %dma_start3A_23 = tpu.memref_slice %arg5[%add3A_8, %dma_start3A_22] : memref<320000x128xf32, #tpu.memory_space<hbm>> -> memref<16x128xf32, #tpu.memory_space<hbm>>
      %dma_start3A_24 = arith.constant 0 : i32
      %dma_start3A_25 = tpu.memref_slice %arg5[%add3A_8, %dma_start3A_24] : memref<320000x128xf32, #tpu.memory_space<hbm>> -> memref<16x128xf32, #tpu.memory_space<hbm>>
      tpu.enqueue_dma source(%arg10 : memref<16x128xf32, #tpu.memory_space<vmem>>) target(%dma_start3A_25 : memref<16x128xf32, #tpu.memory_space<hbm>>) target_semaphore(%run_scoped3A : memref<!tpu.dma_semaphore, #tpu.memory_space<semaphore_mem>>)
      %dma_wait3A_26 = arith.constant 0 : i32
      %dma_wait3A_27 = tpu.memref_slice %arg5[%add3A_8, %dma_wait3A_26] : memref<320000x128xf32, #tpu.memory_space<hbm>> -> memref<16x128xf32, #tpu.memory_space<hbm>>
      %dma_wait3A_28 = arith.constant 0 : i32
      %dma_wait3A_29 = tpu.memref_slice %arg5[%add3A_8, %dma_wait3A_28] : memref<320000x128xf32, #tpu.memory_space<hbm>> -> memref<16x128xf32, #tpu.memory_space<hbm>>
      tpu.wait_dma2 semaphore(%run_scoped3A : memref<!tpu.dma_semaphore, #tpu.memory_space<semaphore_mem>>) src(%arg10 : memref<16x128xf32, #tpu.memory_space<vmem>>) dst(%dma_wait3A_29 : memref<16x128xf32, #tpu.memory_space<hbm>>)
      tpu.yield
    }) : () -> ()
    %mul3A_13 = arith.constant 312 : i32
    %mul3A_14 = arith.muli %add3A, %mul3A_13 : i32
    %scan3A_15 = arith.constant 0 : i32
    %scan3A_16 = arith.constant 3 : i32
    %scan3A_17 = arith.addi %scan3A_15, %scan3A_16 : i32
    %scan3A_18 = arith.constant 1 : i32
    scf.for %scan3A_22 = %scan3A_15 to %scan3A_17 step %scan3A_18  : i32 {
      %mul3A_23 = arith.constant 104 : i32
      %mul3A_24 = arith.muli %scan3A_22, %mul3A_23 : i32
      %add3A_25 = arith.addi %mul3A_14, %mul3A_24 : i32
      "tpu.region"() ({
        %run_scoped3A = tpu.sem_alloc : memref<!tpu.dma_semaphore, #tpu.memory_space<semaphore_mem>>
        %dma_start3A_38 = tpu.memref_slice %arg4[%add3A_25] : memref<10000xi32, #tpu.memory_space<hbm>> -> memref<104xi32, #tpu.memory_space<hbm>>
        %dma_start3A_39 = tpu.memref_slice %arg4[%add3A_25] : memref<10000xi32, #tpu.memory_space<hbm>> -> memref<104xi32, #tpu.memory_space<hbm>>
        tpu.enqueue_dma source(%dma_start3A_39 : memref<104xi32, #tpu.memory_space<hbm>>) target(%arg11 : memref<104xi32, #tpu.memory_space<vmem>>) target_semaphore(%run_scoped3A : memref<!tpu.dma_semaphore, #tpu.memory_space<semaphore_mem>>)
        %dma_wait3A_40 = tpu.memref_slice %arg4[%add3A_25] : memref<10000xi32, #tpu.memory_space<hbm>> -> memref<104xi32, #tpu.memory_space<hbm>>
        %dma_wait3A_41 = tpu.memref_slice %arg4[%add3A_25] : memref<10000xi32, #tpu.memory_space<hbm>> -> memref<104xi32, #tpu.memory_space<hbm>>
        tpu.wait_dma2 semaphore(%run_scoped3A : memref<!tpu.dma_semaphore, #tpu.memory_space<semaphore_mem>>) src(%dma_wait3A_41 : memref<104xi32, #tpu.memory_space<hbm>>) dst(%arg11 : memref<104xi32, #tpu.memory_space<vmem>>)
        tpu.yield
      }) : () -> ()
      "tpu.region"() ({
        %run_scoped3A = tpu.sem_alloc : memref<!tpu.dma_semaphore, #tpu.memory_space<semaphore_mem>>
        %dma_start3A_38 = arith.constant 0 : i32
        %dma_start3A_39 = arith.constant 0 : i32
        %dma_start3A_40 = tpu.memref_slice %arg8[%dma_start3A_38, %dma_start3A_39] : memref<128x128xf32, #tpu.memory_space<vmem>> -> memref<104x128xf32, #tpu.memory_space<vmem>>
        %dma_start3A_41 = arith.constant 0 : i32
        %dma_start3A_42 = tpu.memref_slice %arg2[%add3A_25, %dma_start3A_41] : memref<10000x128xf32, #tpu.memory_space<hbm>> -> memref<104x128xf32, #tpu.memory_space<hbm>>
        %dma_start3A_43 = arith.constant 0 : i32
        %dma_start3A_44 = arith.constant 0 : i32
        %dma_start3A_45 = tpu.memref_slice %arg8[%dma_start3A_43, %dma_start3A_44] : memref<128x128xf32, #tpu.memory_space<vmem>> -> memref<104x128xf32, #tpu.memory_space<vmem>>
        %dma_start3A_46 = arith.constant 0 : i32
        %dma_start3A_47 = tpu.memref_slice %arg2[%add3A_25, %dma_start3A_46] : memref<10000x128xf32, #tpu.memory_space<hbm>> -> memref<104x128xf32, #tpu.memory_space<hbm>>
        tpu.enqueue_dma source(%dma_start3A_47 : memref<104x128xf32, #tpu.memory_space<hbm>>) target(%dma_start3A_45 : memref<104x128xf32, #tpu.memory_space<vmem>>) target_semaphore(%run_scoped3A : memref<!tpu.dma_semaphore, #tpu.memory_space<semaphore_mem>>)
        %dma_wait3A_48 = arith.constant 0 : i32
        %dma_wait3A_49 = arith.constant 0 : i32
        %dma_wait3A_50 = tpu.memref_slice %arg8[%dma_wait3A_48, %dma_wait3A_49] : memref<128x128xf32, #tpu.memory_space<vmem>> -> memref<104x128xf32, #tpu.memory_space<vmem>>
        %dma_wait3A_51 = arith.constant 0 : i32
        %dma_wait3A_52 = tpu.memref_slice %arg2[%add3A_25, %dma_wait3A_51] : memref<10000x128xf32, #tpu.memory_space<hbm>> -> memref<104x128xf32, #tpu.memory_space<hbm>>
        %dma_wait3A_53 = arith.constant 0 : i32
        %dma_wait3A_54 = arith.constant 0 : i32
        %dma_wait3A_55 = tpu.memref_slice %arg8[%dma_wait3A_53, %dma_wait3A_54] : memref<128x128xf32, #tpu.memory_space<vmem>> -> memref<104x128xf32, #tpu.memory_space<vmem>>
        %dma_wait3A_56 = arith.constant 0 : i32
        %dma_wait3A_57 = tpu.memref_slice %arg2[%add3A_25, %dma_wait3A_56] : memref<10000x128xf32, #tpu.memory_space<hbm>> -> memref<104x128xf32, #tpu.memory_space<hbm>>
        tpu.wait_dma2 semaphore(%run_scoped3A : memref<!tpu.dma_semaphore, #tpu.memory_space<semaphore_mem>>) src(%dma_wait3A_57 : memref<104x128xf32, #tpu.memory_space<hbm>>) dst(%dma_wait3A_55 : memref<104x128xf32, #tpu.memory_space<vmem>>)
        tpu.yield
      }) : () -> ()
      %dma_start3A_26 = arith.constant 0 : i32
      %dma_start3A_27 = arith.constant 0 : i32
      %dma_start3A_28 = tpu.memref_slice %arg8[%dma_start3A_26, %dma_start3A_27] : memref<128x128xf32, #tpu.memory_space<vmem>> -> memref<104x128xf32, #tpu.memory_space<vmem>>
      %dma_start3A_29 = arith.constant 0 : i32
      %dma_start3A_30 = arith.constant 0 : i32
      %dma_start3A_31 = tpu.memref_slice %arg6[%dma_start3A_29, %dma_start3A_30] : memref<10000x128xf32, #tpu.memory_space<hbm>> -> memref<10000x128xf32, #tpu.memory_space<hbm>>
      tpu.enqueue_indirect_dma source(%dma_start3A_28 : memref<104x128xf32, #tpu.memory_space<vmem>>) target(%dma_start3A_31 : memref<10000x128xf32, #tpu.memory_space<hbm>>) offsets(%arg11 : memref<104xi32, #tpu.memory_space<vmem>>) semaphore(%arg12 : memref<!tpu.dma_semaphore, #tpu.memory_space<semaphore_mem>>)
      %dma_wait3A_32 = arith.constant 0 : i32
      %dma_wait3A_33 = arith.constant 0 : i32
      %dma_wait3A_34 = tpu.memref_slice %arg8[%dma_wait3A_32, %dma_wait3A_33] : memref<128x128xf32, #tpu.memory_space<vmem>> -> memref<104x128xf32, #tpu.memory_space<vmem>>
      %dma_wait3A_35 = arith.constant 0 : i32
      %dma_wait3A_36 = arith.constant 0 : i32
      %dma_wait3A_37 = tpu.memref_slice %arg6[%dma_wait3A_35, %dma_wait3A_36] : memref<10000x128xf32, #tpu.memory_space<hbm>> -> memref<10000x128xf32, #tpu.memory_space<hbm>>
      tpu.wait_indirect_dma semaphore(%arg12 : memref<!tpu.dma_semaphore, #tpu.memory_space<semaphore_mem>>) src(%dma_wait3A_34 : memref<104x128xf32, #tpu.memory_space<vmem>>) dst(%dma_wait3A_37 : memref<10000x128xf32, #tpu.memory_space<hbm>>)
    }
    %scan3A_19 = arith.constant 3 : i32
    %eq3A = arith.constant 31 : i32
    %eq3A_20 = arith.cmpi eq, %add3A, %eq3A : i32
    %convert_element_type3A = arith.extui %eq3A_20 : i1 to i32
    %cond3A = arith.constant 0 : i32
    %cond3A_21 = arith.cmpi ne, %convert_element_type3A, %cond3A : i32
    scf.if %cond3A_21 {
      "tpu.region"() ({
        %run_scoped3A = tpu.sem_alloc : memref<!tpu.dma_semaphore, #tpu.memory_space<semaphore_mem>>
        %dma_start3A_28 = arith.constant 9984 : i32
        %dma_start3A_29 = tpu.memref_slice %arg4[%dma_start3A_28] : memref<10000xi32, #tpu.memory_space<hbm>> -> memref<16xi32, #tpu.memory_space<hbm>>
        %dma_start3A_30 = arith.constant 9984 : i32
        %dma_start3A_31 = tpu.memref_slice %arg4[%dma_start3A_30] : memref<10000xi32, #tpu.memory_space<hbm>> -> memref<16xi32, #tpu.memory_space<hbm>>
        tpu.enqueue_dma source(%dma_start3A_31 : memref<16xi32, #tpu.memory_space<hbm>>) target(%arg9 : memref<16xi32, #tpu.memory_space<vmem>>) target_semaphore(%run_scoped3A : memref<!tpu.dma_semaphore, #tpu.memory_space<semaphore_mem>>)
        %dma_wait3A_32 = arith.constant 9984 : i32
        %dma_wait3A_33 = tpu.memref_slice %arg4[%dma_wait3A_32] : memref<10000xi32, #tpu.memory_space<hbm>> -> memref<16xi32, #tpu.memory_space<hbm>>
        %dma_wait3A_34 = arith.constant 9984 : i32
        %dma_wait3A_35 = tpu.memref_slice %arg4[%dma_wait3A_34] : memref<10000xi32, #tpu.memory_space<hbm>> -> memref<16xi32, #tpu.memory_space<hbm>>
        tpu.wait_dma2 semaphore(%run_scoped3A : memref<!tpu.dma_semaphore, #tpu.memory_space<semaphore_mem>>) src(%dma_wait3A_35 : memref<16xi32, #tpu.memory_space<hbm>>) dst(%arg9 : memref<16xi32, #tpu.memory_space<vmem>>)
        tpu.yield
      }) : () -> ()
      "tpu.region"() ({
        %run_scoped3A = tpu.sem_alloc : memref<!tpu.dma_semaphore, #tpu.memory_space<semaphore_mem>>
        %dma_start3A_28 = arith.constant 9984 : i32
        %dma_start3A_29 = arith.constant 0 : i32
        %dma_start3A_30 = tpu.memref_slice %arg2[%dma_start3A_28, %dma_start3A_29] : memref<10000x128xf32, #tpu.memory_space<hbm>> -> memref<16x128xf32, #tpu.memory_space<hbm>>
        %dma_start3A_31 = arith.constant 9984 : i32
        %dma_start3A_32 = arith.constant 0 : i32
        %dma_start3A_33 = tpu.memref_slice %arg2[%dma_start3A_31, %dma_start3A_32] : memref<10000x128xf32, #tpu.memory_space<hbm>> -> memref<16x128xf32, #tpu.memory_space<hbm>>
        tpu.enqueue_dma source(%dma_start3A_33 : memref<16x128xf32, #tpu.memory_space<hbm>>) target(%arg10 : memref<16x128xf32, #tpu.memory_space<vmem>>) target_semaphore(%run_scoped3A : memref<!tpu.dma_semaphore, #tpu.memory_space<semaphore_mem>>)
        %dma_wait3A_34 = arith.constant 9984 : i32
        %dma_wait3A_35 = arith.constant 0 : i32
        %dma_wait3A_36 = tpu.memref_slice %arg2[%dma_wait3A_34, %dma_wait3A_35] : memref<10000x128xf32, #tpu.memory_space<hbm>> -> memref<16x128xf32, #tpu.memory_space<hbm>>
        %dma_wait3A_37 = arith.constant 9984 : i32
        %dma_wait3A_38 = arith.constant 0 : i32
        %dma_wait3A_39 = tpu.memref_slice %arg2[%dma_wait3A_37, %dma_wait3A_38] : memref<10000x128xf32, #tpu.memory_space<hbm>> -> memref<16x128xf32, #tpu.memory_space<hbm>>
        tpu.wait_dma2 semaphore(%run_scoped3A : memref<!tpu.dma_semaphore, #tpu.memory_space<semaphore_mem>>) src(%dma_wait3A_39 : memref<16x128xf32, #tpu.memory_space<hbm>>) dst(%arg10 : memref<16x128xf32, #tpu.memory_space<vmem>>)
        tpu.yield
      }) : () -> ()
      %dma_start3A_22 = arith.constant 0 : i32
      %dma_start3A_23 = arith.constant 0 : i32
      %dma_start3A_24 = tpu.memref_slice %arg6[%dma_start3A_22, %dma_start3A_23] : memref<10000x128xf32, #tpu.memory_space<hbm>> -> memref<10000x128xf32, #tpu.memory_space<hbm>>
      tpu.enqueue_indirect_dma source(%arg10 : memref<16x128xf32, #tpu.memory_space<vmem>>) target(%dma_start3A_24 : memref<10000x128xf32, #tpu.memory_space<hbm>>) offsets(%arg9 : memref<16xi32, #tpu.memory_space<vmem>>) semaphore(%arg12 : memref<!tpu.dma_semaphore, #tpu.memory_space<semaphore_mem>>)
      %dma_wait3A_25 = arith.constant 0 : i32
      %dma_wait3A_26 = arith.constant 0 : i32
      %dma_wait3A_27 = tpu.memref_slice %arg6[%dma_wait3A_25, %dma_wait3A_26] : memref<10000x128xf32, #tpu.memory_space<hbm>> -> memref<10000x128xf32, #tpu.memory_space<hbm>>
      tpu.wait_indirect_dma semaphore(%arg12 : memref<!tpu.dma_semaphore, #tpu.memory_space<semaphore_mem>>) src(%arg10 : memref<16x128xf32, #tpu.memory_space<vmem>>) dst(%dma_wait3A_27 : memref<10000x128xf32, #tpu.memory_space<hbm>>)
    } else {
    }
    return
  }
}

#map = affine_map<(d0, d1) -> (0, 0)>
#map1 = affine_map<(d0, d1) -> (0)>
module attributes {stable_mosaic.version = 14 : i64} {
  func.func @k(%arg0: i32, %arg1: i32, %arg2: memref<320000x128xf32, #tpu.memory_space<hbm>>, %arg3: memref<320000x128xf32, #tpu.memory_space<hbm>>, %arg4: memref<320000xi32, #tpu.memory_space<hbm>>, %arg5: memref<128x128xf32, #tpu.memory_space<hbm>>, %arg6: memref<10000x128xf32, #tpu.memory_space<hbm>>, %arg7: memref<10000x128xf32, #tpu.memory_space<hbm>>, %arg8: memref<128xi32, #tpu.memory_space<vmem>>, %arg9: memref<128x128xf32, #tpu.memory_space<vmem>>, %arg10: memref<32xi32, #tpu.memory_space<vmem>>, %arg11: memref<32x128xf32, #tpu.memory_space<vmem>>, %arg12: memref<10000x128xf32, #tpu.memory_space<vmem_shared>>, %arg13: memref<!tpu.dma_semaphore, #tpu.memory_space<semaphore_mem>>) attributes {dimension_semantics = [#tpu.dimension_semantics<core_parallel>, #tpu.dimension_semantics<subcore_parallel>], iteration_bounds = array<i64: 2, 16>, scalar_prefetch = 0 : i64, scratch_operands = 6 : i64, tpu.core_type = #tpu.core_type<sc_vector_subcore>, window_params = [{transform_indices = #map}, {transform_indices = #map}, {transform_indices = #map1}, {transform_indices = #map}, {transform_indices = #map}, {transform_indices = #map}]} {
    %mul3A = arith.constant 640 : i32
    %mul3A_0 = arith.muli %arg1, %mul3A : i32
    %lt3A = arith.constant 15 : i32
    %lt3A_1 = arith.cmpi slt, %arg1, %lt3A : i32
    %convert_element_type3A = arith.extui %lt3A_1 : i1 to i32
    %cond3A = arith.constant 0 : i32
    %cond3A_2 = arith.cmpi ne, %convert_element_type3A, %cond3A : i32
    scf.if %cond3A_2 {
      %scan3A_35 = arith.constant 0 : i32
      %scan3A_36 = arith.constant 5 : i32
      %scan3A_37 = arith.addi %scan3A_35, %scan3A_36 : i32
      %scan3A_38 = arith.constant 1 : i32
      scf.for %scan3A_40 = %scan3A_35 to %scan3A_37 step %scan3A_38  : i32 {
        %mul3A_41 = arith.constant 128 : i32
        %mul3A_42 = arith.muli %scan3A_40, %mul3A_41 : i32
        %add3A_43 = arith.addi %mul3A_0, %mul3A_42 : i32
        "tpu.region"() ({
          %run_scoped3A = tpu.sem_alloc : memref<!tpu.dma_semaphore, #tpu.memory_space<semaphore_mem>>
          %dma_start3A = arith.constant 0 : i32
          %dma_start3A_44 = tpu.memref_slice %arg12[%add3A_43, %dma_start3A] : memref<10000x128xf32, #tpu.memory_space<vmem_shared>> -> memref<128x128xf32, #tpu.memory_space<vmem_shared>>
          tpu.enqueue_dma source(%arg5 : memref<128x128xf32, #tpu.memory_space<hbm>>) target(%dma_start3A_44 : memref<128x128xf32, #tpu.memory_space<vmem_shared>>) target_semaphore(%run_scoped3A : memref<!tpu.dma_semaphore, #tpu.memory_space<semaphore_mem>>)
          %dma_wait3A = arith.constant 0 : i32
          %dma_wait3A_45 = tpu.memref_slice %arg12[%add3A_43, %dma_wait3A] : memref<10000x128xf32, #tpu.memory_space<vmem_shared>> -> memref<128x128xf32, #tpu.memory_space<vmem_shared>>
          tpu.wait_dma2 semaphore(%run_scoped3A : memref<!tpu.dma_semaphore, #tpu.memory_space<semaphore_mem>>) src(%arg5 : memref<128x128xf32, #tpu.memory_space<hbm>>) dst(%dma_wait3A_45 : memref<128x128xf32, #tpu.memory_space<vmem_shared>>)
          tpu.yield
        }) : () -> ()
      }
      %scan3A_39 = arith.constant 5 : i32
    } else {
    }
    %eq3A = arith.constant 15 : i32
    %eq3A_3 = arith.cmpi eq, %arg1, %eq3A : i32
    %convert_element_type3A_4 = arith.extui %eq3A_3 : i1 to i32
    %cond3A_5 = arith.constant 0 : i32
    %cond3A_6 = arith.cmpi ne, %convert_element_type3A_4, %cond3A_5 : i32
    scf.if %cond3A_6 {
      %scan3A_35 = arith.constant 0 : i32
      %scan3A_36 = arith.constant 3 : i32
      %scan3A_37 = arith.addi %scan3A_35, %scan3A_36 : i32
      %scan3A_38 = arith.constant 1 : i32
      scf.for %scan3A_42 = %scan3A_35 to %scan3A_37 step %scan3A_38  : i32 {
        %mul3A_43 = arith.constant 128 : i32
        %mul3A_44 = arith.muli %scan3A_42, %mul3A_43 : i32
        %add3A_45 = arith.addi %mul3A_0, %mul3A_44 : i32
        "tpu.region"() ({
          %run_scoped3A = tpu.sem_alloc : memref<!tpu.dma_semaphore, #tpu.memory_space<semaphore_mem>>
          %dma_start3A = arith.constant 0 : i32
          %dma_start3A_46 = tpu.memref_slice %arg12[%add3A_45, %dma_start3A] : memref<10000x128xf32, #tpu.memory_space<vmem_shared>> -> memref<128x128xf32, #tpu.memory_space<vmem_shared>>
          tpu.enqueue_dma source(%arg5 : memref<128x128xf32, #tpu.memory_space<hbm>>) target(%dma_start3A_46 : memref<128x128xf32, #tpu.memory_space<vmem_shared>>) target_semaphore(%run_scoped3A : memref<!tpu.dma_semaphore, #tpu.memory_space<semaphore_mem>>)
          %dma_wait3A = arith.constant 0 : i32
          %dma_wait3A_47 = tpu.memref_slice %arg12[%add3A_45, %dma_wait3A] : memref<10000x128xf32, #tpu.memory_space<vmem_shared>> -> memref<128x128xf32, #tpu.memory_space<vmem_shared>>
          tpu.wait_dma2 semaphore(%run_scoped3A : memref<!tpu.dma_semaphore, #tpu.memory_space<semaphore_mem>>) src(%arg5 : memref<128x128xf32, #tpu.memory_space<hbm>>) dst(%dma_wait3A_47 : memref<128x128xf32, #tpu.memory_space<vmem_shared>>)
          tpu.yield
        }) : () -> ()
      }
      %scan3A_39 = arith.constant 3 : i32
      %add3A_40 = arith.constant 384 : i32
      %add3A_41 = arith.addi %mul3A_0, %add3A_40 : i32
      "tpu.region"() ({
        %run_scoped3A = tpu.sem_alloc : memref<!tpu.dma_semaphore, #tpu.memory_space<semaphore_mem>>
        %dma_start3A = arith.constant 0 : i32
        %dma_start3A_42 = tpu.memref_slice %arg12[%add3A_41, %dma_start3A] : memref<10000x128xf32, #tpu.memory_space<vmem_shared>> -> memref<16x128xf32, #tpu.memory_space<vmem_shared>>
        %dma_start3A_43 = arith.constant 0 : i32
        %dma_start3A_44 = arith.constant 0 : i32
        %dma_start3A_45 = tpu.memref_slice %arg5[%dma_start3A_43, %dma_start3A_44] : memref<128x128xf32, #tpu.memory_space<hbm>> -> memref<16x128xf32, #tpu.memory_space<hbm>>
        tpu.enqueue_dma source(%dma_start3A_45 : memref<16x128xf32, #tpu.memory_space<hbm>>) target(%dma_start3A_42 : memref<16x128xf32, #tpu.memory_space<vmem_shared>>) target_semaphore(%run_scoped3A : memref<!tpu.dma_semaphore, #tpu.memory_space<semaphore_mem>>)
        %dma_wait3A = arith.constant 0 : i32
        %dma_wait3A_46 = tpu.memref_slice %arg12[%add3A_41, %dma_wait3A] : memref<10000x128xf32, #tpu.memory_space<vmem_shared>> -> memref<16x128xf32, #tpu.memory_space<vmem_shared>>
        %dma_wait3A_47 = arith.constant 0 : i32
        %dma_wait3A_48 = arith.constant 0 : i32
        %dma_wait3A_49 = tpu.memref_slice %arg5[%dma_wait3A_47, %dma_wait3A_48] : memref<128x128xf32, #tpu.memory_space<hbm>> -> memref<16x128xf32, #tpu.memory_space<hbm>>
        tpu.wait_dma2 semaphore(%run_scoped3A : memref<!tpu.dma_semaphore, #tpu.memory_space<semaphore_mem>>) src(%dma_wait3A_49 : memref<16x128xf32, #tpu.memory_space<hbm>>) dst(%dma_wait3A_46 : memref<16x128xf32, #tpu.memory_space<vmem_shared>>)
        tpu.yield
      }) : () -> ()
    } else {
    }
    %barrier3A = arith.constant 0 : index
    tpu.barrier barrier_id(%barrier3A)
    %mul3A_7 = arith.constant 20000 : i32
    %mul3A_8 = arith.muli %arg1, %mul3A_7 : i32
    %scan3A = arith.constant 0 : i32
    %scan3A_9 = arith.constant 156 : i32
    %scan3A_10 = arith.addi %scan3A, %scan3A_9 : i32
    %scan3A_11 = arith.constant 1 : i32
    scf.for %scan3A_35 = %scan3A to %scan3A_10 step %scan3A_11  : i32 {
      %mul3A_36 = arith.constant 128 : i32
      %mul3A_37 = arith.muli %scan3A_35, %mul3A_36 : i32
      %add3A_38 = arith.addi %mul3A_8, %mul3A_37 : i32
      "tpu.region"() ({
        %run_scoped3A = tpu.sem_alloc : memref<!tpu.dma_semaphore, #tpu.memory_space<semaphore_mem>>
        %dma_start3A = tpu.memref_slice %arg4[%add3A_38] : memref<320000xi32, #tpu.memory_space<hbm>> -> memref<128xi32, #tpu.memory_space<hbm>>
        %dma_start3A_49 = tpu.memref_slice %arg4[%add3A_38] : memref<320000xi32, #tpu.memory_space<hbm>> -> memref<128xi32, #tpu.memory_space<hbm>>
        tpu.enqueue_dma source(%dma_start3A_49 : memref<128xi32, #tpu.memory_space<hbm>>) target(%arg8 : memref<128xi32, #tpu.memory_space<vmem>>) target_semaphore(%run_scoped3A : memref<!tpu.dma_semaphore, #tpu.memory_space<semaphore_mem>>)
        %dma_wait3A = tpu.memref_slice %arg4[%add3A_38] : memref<320000xi32, #tpu.memory_space<hbm>> -> memref<128xi32, #tpu.memory_space<hbm>>
        %dma_wait3A_50 = tpu.memref_slice %arg4[%add3A_38] : memref<320000xi32, #tpu.memory_space<hbm>> -> memref<128xi32, #tpu.memory_space<hbm>>
        tpu.wait_dma2 semaphore(%run_scoped3A : memref<!tpu.dma_semaphore, #tpu.memory_space<semaphore_mem>>) src(%dma_wait3A_50 : memref<128xi32, #tpu.memory_space<hbm>>) dst(%arg8 : memref<128xi32, #tpu.memory_space<vmem>>)
        tpu.yield
      }) : () -> ()
      %eq3A_39 = arith.constant 0 : i32
      %eq3A_40 = arith.cmpi eq, %arg0, %eq3A_39 : i32
      %convert_element_type3A_41 = arith.extui %eq3A_40 : i1 to i32
      %cond3A_42 = arith.constant 0 : i32
      %cond3A_43 = arith.cmpi ne, %convert_element_type3A_41, %cond3A_42 : i32
      scf.if %cond3A_43 {
        "tpu.region"() ({
          %run_scoped3A = tpu.sem_alloc : memref<!tpu.dma_semaphore, #tpu.memory_space<semaphore_mem>>
          %dma_start3A = arith.constant 0 : i32
          %dma_start3A_49 = tpu.memref_slice %arg2[%add3A_38, %dma_start3A] : memref<320000x128xf32, #tpu.memory_space<hbm>> -> memref<128x128xf32, #tpu.memory_space<hbm>>
          %dma_start3A_50 = arith.constant 0 : i32
          %dma_start3A_51 = tpu.memref_slice %arg2[%add3A_38, %dma_start3A_50] : memref<320000x128xf32, #tpu.memory_space<hbm>> -> memref<128x128xf32, #tpu.memory_space<hbm>>
          tpu.enqueue_dma source(%dma_start3A_51 : memref<128x128xf32, #tpu.memory_space<hbm>>) target(%arg9 : memref<128x128xf32, #tpu.memory_space<vmem>>) target_semaphore(%run_scoped3A : memref<!tpu.dma_semaphore, #tpu.memory_space<semaphore_mem>>)
          %dma_wait3A = arith.constant 0 : i32
          %dma_wait3A_52 = tpu.memref_slice %arg2[%add3A_38, %dma_wait3A] : memref<320000x128xf32, #tpu.memory_space<hbm>> -> memref<128x128xf32, #tpu.memory_space<hbm>>
          %dma_wait3A_53 = arith.constant 0 : i32
          %dma_wait3A_54 = tpu.memref_slice %arg2[%add3A_38, %dma_wait3A_53] : memref<320000x128xf32, #tpu.memory_space<hbm>> -> memref<128x128xf32, #tpu.memory_space<hbm>>
          tpu.wait_dma2 semaphore(%run_scoped3A : memref<!tpu.dma_semaphore, #tpu.memory_space<semaphore_mem>>) src(%dma_wait3A_54 : memref<128x128xf32, #tpu.memory_space<hbm>>) dst(%arg9 : memref<128x128xf32, #tpu.memory_space<vmem>>)
          tpu.yield
        }) : () -> ()
      } else {
      }
      %eq3A_44 = arith.constant 1 : i32
      %eq3A_45 = arith.cmpi eq, %arg0, %eq3A_44 : i32
      %convert_element_type3A_46 = arith.extui %eq3A_45 : i1 to i32
      %cond3A_47 = arith.constant 0 : i32
      %cond3A_48 = arith.cmpi ne, %convert_element_type3A_46, %cond3A_47 : i32
      scf.if %cond3A_48 {
        "tpu.region"() ({
          %run_scoped3A = tpu.sem_alloc : memref<!tpu.dma_semaphore, #tpu.memory_space<semaphore_mem>>
          %dma_start3A = arith.constant 0 : i32
          %dma_start3A_49 = tpu.memref_slice %arg3[%add3A_38, %dma_start3A] : memref<320000x128xf32, #tpu.memory_space<hbm>> -> memref<128x128xf32, #tpu.memory_space<hbm>>
          %dma_start3A_50 = arith.constant 0 : i32
          %dma_start3A_51 = tpu.memref_slice %arg3[%add3A_38, %dma_start3A_50] : memref<320000x128xf32, #tpu.memory_space<hbm>> -> memref<128x128xf32, #tpu.memory_space<hbm>>
          tpu.enqueue_dma source(%dma_start3A_51 : memref<128x128xf32, #tpu.memory_space<hbm>>) target(%arg9 : memref<128x128xf32, #tpu.memory_space<vmem>>) target_semaphore(%run_scoped3A : memref<!tpu.dma_semaphore, #tpu.memory_space<semaphore_mem>>)
          %dma_wait3A = arith.constant 0 : i32
          %dma_wait3A_52 = tpu.memref_slice %arg3[%add3A_38, %dma_wait3A] : memref<320000x128xf32, #tpu.memory_space<hbm>> -> memref<128x128xf32, #tpu.memory_space<hbm>>
          %dma_wait3A_53 = arith.constant 0 : i32
          %dma_wait3A_54 = tpu.memref_slice %arg3[%add3A_38, %dma_wait3A_53] : memref<320000x128xf32, #tpu.memory_space<hbm>> -> memref<128x128xf32, #tpu.memory_space<hbm>>
          tpu.wait_dma2 semaphore(%run_scoped3A : memref<!tpu.dma_semaphore, #tpu.memory_space<semaphore_mem>>) src(%dma_wait3A_54 : memref<128x128xf32, #tpu.memory_space<hbm>>) dst(%arg9 : memref<128x128xf32, #tpu.memory_space<vmem>>)
          tpu.yield
        }) : () -> ()
      } else {
      }
      "tpu.region"() ({
        %run_scoped3A = tpu.sem_alloc : memref<!tpu.dma_semaphore, #tpu.memory_space<semaphore_mem>>
        %dma_start3A = arith.constant 0 : i32
        %dma_start3A_49 = arith.constant 0 : i32
        %dma_start3A_50 = tpu.memref_slice %arg12[%dma_start3A, %dma_start3A_49] : memref<10000x128xf32, #tpu.memory_space<vmem_shared>> -> memref<10000x128xf32, #tpu.memory_space<vmem_shared>>
        tpu.enqueue_indirect_dma source(%arg9 : memref<128x128xf32, #tpu.memory_space<vmem>>) target(%dma_start3A_50 : memref<10000x128xf32, #tpu.memory_space<vmem_shared>>) offsets(%arg8 : memref<128xi32, #tpu.memory_space<vmem>>) semaphore(%run_scoped3A : memref<!tpu.dma_semaphore, #tpu.memory_space<semaphore_mem>>) {add = true}
        %dma_wait3A = arith.constant 0 : i32
        %dma_wait3A_51 = arith.constant 0 : i32
        %dma_wait3A_52 = tpu.memref_slice %arg12[%dma_wait3A, %dma_wait3A_51] : memref<10000x128xf32, #tpu.memory_space<vmem_shared>> -> memref<10000x128xf32, #tpu.memory_space<vmem_shared>>
        tpu.wait_indirect_dma semaphore(%run_scoped3A : memref<!tpu.dma_semaphore, #tpu.memory_space<semaphore_mem>>) src(%arg9 : memref<128x128xf32, #tpu.memory_space<vmem>>) dst(%dma_wait3A_52 : memref<10000x128xf32, #tpu.memory_space<vmem_shared>>)
        tpu.yield
      }) : () -> ()
    }
    %scan3A_12 = arith.constant 156 : i32
    %add3A = arith.constant 19968 : i32
    %add3A_13 = arith.addi %mul3A_8, %add3A : i32
    "tpu.region"() ({
      %run_scoped3A = tpu.sem_alloc : memref<!tpu.dma_semaphore, #tpu.memory_space<semaphore_mem>>
      %dma_start3A = tpu.memref_slice %arg4[%add3A_13] : memref<320000xi32, #tpu.memory_space<hbm>> -> memref<32xi32, #tpu.memory_space<hbm>>
      %dma_start3A_35 = tpu.memref_slice %arg4[%add3A_13] : memref<320000xi32, #tpu.memory_space<hbm>> -> memref<32xi32, #tpu.memory_space<hbm>>
      tpu.enqueue_dma source(%dma_start3A_35 : memref<32xi32, #tpu.memory_space<hbm>>) target(%arg10 : memref<32xi32, #tpu.memory_space<vmem>>) target_semaphore(%run_scoped3A : memref<!tpu.dma_semaphore, #tpu.memory_space<semaphore_mem>>)
      %dma_wait3A = tpu.memref_slice %arg4[%add3A_13] : memref<320000xi32, #tpu.memory_space<hbm>> -> memref<32xi32, #tpu.memory_space<hbm>>
      %dma_wait3A_36 = tpu.memref_slice %arg4[%add3A_13] : memref<320000xi32, #tpu.memory_space<hbm>> -> memref<32xi32, #tpu.memory_space<hbm>>
      tpu.wait_dma2 semaphore(%run_scoped3A : memref<!tpu.dma_semaphore, #tpu.memory_space<semaphore_mem>>) src(%dma_wait3A_36 : memref<32xi32, #tpu.memory_space<hbm>>) dst(%arg10 : memref<32xi32, #tpu.memory_space<vmem>>)
      tpu.yield
    }) : () -> ()
    %eq3A_14 = arith.constant 0 : i32
    %eq3A_15 = arith.cmpi eq, %arg0, %eq3A_14 : i32
    %convert_element_type3A_16 = arith.extui %eq3A_15 : i1 to i32
    %cond3A_17 = arith.constant 0 : i32
    %cond3A_18 = arith.cmpi ne, %convert_element_type3A_16, %cond3A_17 : i32
    scf.if %cond3A_18 {
      "tpu.region"() ({
        %run_scoped3A = tpu.sem_alloc : memref<!tpu.dma_semaphore, #tpu.memory_space<semaphore_mem>>
        %dma_start3A = arith.constant 0 : i32
        %dma_start3A_35 = tpu.memref_slice %arg2[%add3A_13, %dma_start3A] : memref<320000x128xf32, #tpu.memory_space<hbm>> -> memref<32x128xf32, #tpu.memory_space<hbm>>
        %dma_start3A_36 = arith.constant 0 : i32
        %dma_start3A_37 = tpu.memref_slice %arg2[%add3A_13, %dma_start3A_36] : memref<320000x128xf32, #tpu.memory_space<hbm>> -> memref<32x128xf32, #tpu.memory_space<hbm>>
        tpu.enqueue_dma source(%dma_start3A_37 : memref<32x128xf32, #tpu.memory_space<hbm>>) target(%arg11 : memref<32x128xf32, #tpu.memory_space<vmem>>) target_semaphore(%run_scoped3A : memref<!tpu.dma_semaphore, #tpu.memory_space<semaphore_mem>>)
        %dma_wait3A = arith.constant 0 : i32
        %dma_wait3A_38 = tpu.memref_slice %arg2[%add3A_13, %dma_wait3A] : memref<320000x128xf32, #tpu.memory_space<hbm>> -> memref<32x128xf32, #tpu.memory_space<hbm>>
        %dma_wait3A_39 = arith.constant 0 : i32
        %dma_wait3A_40 = tpu.memref_slice %arg2[%add3A_13, %dma_wait3A_39] : memref<320000x128xf32, #tpu.memory_space<hbm>> -> memref<32x128xf32, #tpu.memory_space<hbm>>
        tpu.wait_dma2 semaphore(%run_scoped3A : memref<!tpu.dma_semaphore, #tpu.memory_space<semaphore_mem>>) src(%dma_wait3A_40 : memref<32x128xf32, #tpu.memory_space<hbm>>) dst(%arg11 : memref<32x128xf32, #tpu.memory_space<vmem>>)
        tpu.yield
      }) : () -> ()
    } else {
    }
    %eq3A_19 = arith.constant 1 : i32
    %eq3A_20 = arith.cmpi eq, %arg0, %eq3A_19 : i32
    %convert_element_type3A_21 = arith.extui %eq3A_20 : i1 to i32
    %cond3A_22 = arith.constant 0 : i32
    %cond3A_23 = arith.cmpi ne, %convert_element_type3A_21, %cond3A_22 : i32
    scf.if %cond3A_23 {
      "tpu.region"() ({
        %run_scoped3A = tpu.sem_alloc : memref<!tpu.dma_semaphore, #tpu.memory_space<semaphore_mem>>
        %dma_start3A = arith.constant 0 : i32
        %dma_start3A_35 = tpu.memref_slice %arg3[%add3A_13, %dma_start3A] : memref<320000x128xf32, #tpu.memory_space<hbm>> -> memref<32x128xf32, #tpu.memory_space<hbm>>
        %dma_start3A_36 = arith.constant 0 : i32
        %dma_start3A_37 = tpu.memref_slice %arg3[%add3A_13, %dma_start3A_36] : memref<320000x128xf32, #tpu.memory_space<hbm>> -> memref<32x128xf32, #tpu.memory_space<hbm>>
        tpu.enqueue_dma source(%dma_start3A_37 : memref<32x128xf32, #tpu.memory_space<hbm>>) target(%arg11 : memref<32x128xf32, #tpu.memory_space<vmem>>) target_semaphore(%run_scoped3A : memref<!tpu.dma_semaphore, #tpu.memory_space<semaphore_mem>>)
        %dma_wait3A = arith.constant 0 : i32
        %dma_wait3A_38 = tpu.memref_slice %arg3[%add3A_13, %dma_wait3A] : memref<320000x128xf32, #tpu.memory_space<hbm>> -> memref<32x128xf32, #tpu.memory_space<hbm>>
        %dma_wait3A_39 = arith.constant 0 : i32
        %dma_wait3A_40 = tpu.memref_slice %arg3[%add3A_13, %dma_wait3A_39] : memref<320000x128xf32, #tpu.memory_space<hbm>> -> memref<32x128xf32, #tpu.memory_space<hbm>>
        tpu.wait_dma2 semaphore(%run_scoped3A : memref<!tpu.dma_semaphore, #tpu.memory_space<semaphore_mem>>) src(%dma_wait3A_40 : memref<32x128xf32, #tpu.memory_space<hbm>>) dst(%arg11 : memref<32x128xf32, #tpu.memory_space<vmem>>)
        tpu.yield
      }) : () -> ()
    } else {
    }
    "tpu.region"() ({
      %run_scoped3A = tpu.sem_alloc : memref<!tpu.dma_semaphore, #tpu.memory_space<semaphore_mem>>
      %dma_start3A = arith.constant 0 : i32
      %dma_start3A_35 = arith.constant 0 : i32
      %dma_start3A_36 = tpu.memref_slice %arg12[%dma_start3A, %dma_start3A_35] : memref<10000x128xf32, #tpu.memory_space<vmem_shared>> -> memref<10000x128xf32, #tpu.memory_space<vmem_shared>>
      tpu.enqueue_indirect_dma source(%arg11 : memref<32x128xf32, #tpu.memory_space<vmem>>) target(%dma_start3A_36 : memref<10000x128xf32, #tpu.memory_space<vmem_shared>>) offsets(%arg10 : memref<32xi32, #tpu.memory_space<vmem>>) semaphore(%run_scoped3A : memref<!tpu.dma_semaphore, #tpu.memory_space<semaphore_mem>>) {add = true}
      %dma_wait3A = arith.constant 0 : i32
      %dma_wait3A_37 = arith.constant 0 : i32
      %dma_wait3A_38 = tpu.memref_slice %arg12[%dma_wait3A, %dma_wait3A_37] : memref<10000x128xf32, #tpu.memory_space<vmem_shared>> -> memref<10000x128xf32, #tpu.memory_space<vmem_shared>>
      tpu.wait_indirect_dma semaphore(%run_scoped3A : memref<!tpu.dma_semaphore, #tpu.memory_space<semaphore_mem>>) src(%arg11 : memref<32x128xf32, #tpu.memory_space<vmem>>) dst(%dma_wait3A_38 : memref<10000x128xf32, #tpu.memory_space<vmem_shared>>)
      tpu.yield
    }) : () -> ()
    %barrier3A_24 = arith.constant 0 : index
    tpu.barrier barrier_id(%barrier3A_24)
    %lt3A_25 = arith.constant 15 : i32
    %lt3A_26 = arith.cmpi slt, %arg1, %lt3A_25 : i32
    %convert_element_type3A_27 = arith.extui %lt3A_26 : i1 to i32
    %cond3A_28 = arith.constant 0 : i32
    %cond3A_29 = arith.cmpi ne, %convert_element_type3A_27, %cond3A_28 : i32
    scf.if %cond3A_29 {
      %scan3A_35 = arith.constant 0 : i32
      %scan3A_36 = arith.constant 5 : i32
      %scan3A_37 = arith.addi %scan3A_35, %scan3A_36 : i32
      %scan3A_38 = arith.constant 1 : i32
      scf.for %scan3A_40 = %scan3A_35 to %scan3A_37 step %scan3A_38  : i32 {
        %mul3A_41 = arith.constant 128 : i32
        %mul3A_42 = arith.muli %scan3A_40, %mul3A_41 : i32
        %add3A_43 = arith.addi %mul3A_0, %mul3A_42 : i32
        "tpu.region"() ({
          %run_scoped3A = tpu.sem_alloc : memref<!tpu.dma_semaphore, #tpu.memory_space<semaphore_mem>>
          %dma_start3A = arith.constant 0 : i32
          %dma_start3A_54 = tpu.memref_slice %arg12[%add3A_43, %dma_start3A] : memref<10000x128xf32, #tpu.memory_space<vmem_shared>> -> memref<128x128xf32, #tpu.memory_space<vmem_shared>>
          %dma_start3A_55 = arith.constant 0 : i32
          %dma_start3A_56 = tpu.memref_slice %arg12[%add3A_43, %dma_start3A_55] : memref<10000x128xf32, #tpu.memory_space<vmem_shared>> -> memref<128x128xf32, #tpu.memory_space<vmem_shared>>
          tpu.enqueue_dma source(%dma_start3A_56 : memref<128x128xf32, #tpu.memory_space<vmem_shared>>) target(%arg9 : memref<128x128xf32, #tpu.memory_space<vmem>>) target_semaphore(%run_scoped3A : memref<!tpu.dma_semaphore, #tpu.memory_space<semaphore_mem>>)
          %dma_wait3A = arith.constant 0 : i32
          %dma_wait3A_57 = tpu.memref_slice %arg12[%add3A_43, %dma_wait3A] : memref<10000x128xf32, #tpu.memory_space<vmem_shared>> -> memref<128x128xf32, #tpu.memory_space<vmem_shared>>
          %dma_wait3A_58 = arith.constant 0 : i32
          %dma_wait3A_59 = tpu.memref_slice %arg12[%add3A_43, %dma_wait3A_58] : memref<10000x128xf32, #tpu.memory_space<vmem_shared>> -> memref<128x128xf32, #tpu.memory_space<vmem_shared>>
          tpu.wait_dma2 semaphore(%run_scoped3A : memref<!tpu.dma_semaphore, #tpu.memory_space<semaphore_mem>>) src(%dma_wait3A_59 : memref<128x128xf32, #tpu.memory_space<vmem_shared>>) dst(%arg9 : memref<128x128xf32, #tpu.memory_space<vmem>>)
          tpu.yield
        }) : () -> ()
        %eq3A_44 = arith.constant 0 : i32
        %eq3A_45 = arith.cmpi eq, %arg0, %eq3A_44 : i32
        %convert_element_type3A_46 = arith.extui %eq3A_45 : i1 to i32
        %cond3A_47 = arith.constant 0 : i32
        %cond3A_48 = arith.cmpi ne, %convert_element_type3A_46, %cond3A_47 : i32
        scf.if %cond3A_48 {
          "tpu.region"() ({
            %run_scoped3A = tpu.sem_alloc : memref<!tpu.dma_semaphore, #tpu.memory_space<semaphore_mem>>
            %dma_start3A = arith.constant 0 : i32
            %dma_start3A_54 = tpu.memref_slice %arg6[%add3A_43, %dma_start3A] : memref<10000x128xf32, #tpu.memory_space<hbm>> -> memref<128x128xf32, #tpu.memory_space<hbm>>
            %dma_start3A_55 = arith.constant 0 : i32
            %dma_start3A_56 = tpu.memref_slice %arg6[%add3A_43, %dma_start3A_55] : memref<10000x128xf32, #tpu.memory_space<hbm>> -> memref<128x128xf32, #tpu.memory_space<hbm>>
            tpu.enqueue_dma source(%arg9 : memref<128x128xf32, #tpu.memory_space<vmem>>) target(%dma_start3A_56 : memref<128x128xf32, #tpu.memory_space<hbm>>) target_semaphore(%run_scoped3A : memref<!tpu.dma_semaphore, #tpu.memory_space<semaphore_mem>>)
            %dma_wait3A = arith.constant 0 : i32
            %dma_wait3A_57 = tpu.memref_slice %arg6[%add3A_43, %dma_wait3A] : memref<10000x128xf32, #tpu.memory_space<hbm>> -> memref<128x128xf32, #tpu.memory_space<hbm>>
            %dma_wait3A_58 = arith.constant 0 : i32
            %dma_wait3A_59 = tpu.memref_slice %arg6[%add3A_43, %dma_wait3A_58] : memref<10000x128xf32, #tpu.memory_space<hbm>> -> memref<128x128xf32, #tpu.memory_space<hbm>>
            tpu.wait_dma2 semaphore(%run_scoped3A : memref<!tpu.dma_semaphore, #tpu.memory_space<semaphore_mem>>) src(%arg9 : memref<128x128xf32, #tpu.memory_space<vmem>>) dst(%dma_wait3A_59 : memref<128x128xf32, #tpu.memory_space<hbm>>)
            tpu.yield
          }) : () -> ()
        } else {
        }
        %eq3A_49 = arith.constant 1 : i32
        %eq3A_50 = arith.cmpi eq, %arg0, %eq3A_49 : i32
        %convert_element_type3A_51 = arith.extui %eq3A_50 : i1 to i32
        %cond3A_52 = arith.constant 0 : i32
        %cond3A_53 = arith.cmpi ne, %convert_element_type3A_51, %cond3A_52 : i32
        scf.if %cond3A_53 {
          "tpu.region"() ({
            %run_scoped3A = tpu.sem_alloc : memref<!tpu.dma_semaphore, #tpu.memory_space<semaphore_mem>>
            %dma_start3A = arith.constant 0 : i32
            %dma_start3A_54 = tpu.memref_slice %arg7[%add3A_43, %dma_start3A] : memref<10000x128xf32, #tpu.memory_space<hbm>> -> memref<128x128xf32, #tpu.memory_space<hbm>>
            %dma_start3A_55 = arith.constant 0 : i32
            %dma_start3A_56 = tpu.memref_slice %arg7[%add3A_43, %dma_start3A_55] : memref<10000x128xf32, #tpu.memory_space<hbm>> -> memref<128x128xf32, #tpu.memory_space<hbm>>
            tpu.enqueue_dma source(%arg9 : memref<128x128xf32, #tpu.memory_space<vmem>>) target(%dma_start3A_56 : memref<128x128xf32, #tpu.memory_space<hbm>>) target_semaphore(%run_scoped3A : memref<!tpu.dma_semaphore, #tpu.memory_space<semaphore_mem>>)
            %dma_wait3A = arith.constant 0 : i32
            %dma_wait3A_57 = tpu.memref_slice %arg7[%add3A_43, %dma_wait3A] : memref<10000x128xf32, #tpu.memory_space<hbm>> -> memref<128x128xf32, #tpu.memory_space<hbm>>
            %dma_wait3A_58 = arith.constant 0 : i32
            %dma_wait3A_59 = tpu.memref_slice %arg7[%add3A_43, %dma_wait3A_58] : memref<10000x128xf32, #tpu.memory_space<hbm>> -> memref<128x128xf32, #tpu.memory_space<hbm>>
            tpu.wait_dma2 semaphore(%run_scoped3A : memref<!tpu.dma_semaphore, #tpu.memory_space<semaphore_mem>>) src(%arg9 : memref<128x128xf32, #tpu.memory_space<vmem>>) dst(%dma_wait3A_59 : memref<128x128xf32, #tpu.memory_space<hbm>>)
            tpu.yield
          }) : () -> ()
        } else {
        }
      }
      %scan3A_39 = arith.constant 5 : i32
    } else {
    }
    %eq3A_30 = arith.constant 15 : i32
    %eq3A_31 = arith.cmpi eq, %arg1, %eq3A_30 : i32
    %convert_element_type3A_32 = arith.extui %eq3A_31 : i1 to i32
    %cond3A_33 = arith.constant 0 : i32
    %cond3A_34 = arith.cmpi ne, %convert_element_type3A_32, %cond3A_33 : i32
    scf.if %cond3A_34 {
      %scan3A_35 = arith.constant 0 : i32
      %scan3A_36 = arith.constant 3 : i32
      %scan3A_37 = arith.addi %scan3A_35, %scan3A_36 : i32
      %scan3A_38 = arith.constant 1 : i32
      scf.for %scan3A_52 = %scan3A_35 to %scan3A_37 step %scan3A_38  : i32 {
        %mul3A_53 = arith.constant 128 : i32
        %mul3A_54 = arith.muli %scan3A_52, %mul3A_53 : i32
        %add3A_55 = arith.addi %mul3A_0, %mul3A_54 : i32
        "tpu.region"() ({
          %run_scoped3A = tpu.sem_alloc : memref<!tpu.dma_semaphore, #tpu.memory_space<semaphore_mem>>
          %dma_start3A = arith.constant 0 : i32
          %dma_start3A_66 = tpu.memref_slice %arg12[%add3A_55, %dma_start3A] : memref<10000x128xf32, #tpu.memory_space<vmem_shared>> -> memref<128x128xf32, #tpu.memory_space<vmem_shared>>
          %dma_start3A_67 = arith.constant 0 : i32
          %dma_start3A_68 = tpu.memref_slice %arg12[%add3A_55, %dma_start3A_67] : memref<10000x128xf32, #tpu.memory_space<vmem_shared>> -> memref<128x128xf32, #tpu.memory_space<vmem_shared>>
          tpu.enqueue_dma source(%dma_start3A_68 : memref<128x128xf32, #tpu.memory_space<vmem_shared>>) target(%arg9 : memref<128x128xf32, #tpu.memory_space<vmem>>) target_semaphore(%run_scoped3A : memref<!tpu.dma_semaphore, #tpu.memory_space<semaphore_mem>>)
          %dma_wait3A = arith.constant 0 : i32
          %dma_wait3A_69 = tpu.memref_slice %arg12[%add3A_55, %dma_wait3A] : memref<10000x128xf32, #tpu.memory_space<vmem_shared>> -> memref<128x128xf32, #tpu.memory_space<vmem_shared>>
          %dma_wait3A_70 = arith.constant 0 : i32
          %dma_wait3A_71 = tpu.memref_slice %arg12[%add3A_55, %dma_wait3A_70] : memref<10000x128xf32, #tpu.memory_space<vmem_shared>> -> memref<128x128xf32, #tpu.memory_space<vmem_shared>>
          tpu.wait_dma2 semaphore(%run_scoped3A : memref<!tpu.dma_semaphore, #tpu.memory_space<semaphore_mem>>) src(%dma_wait3A_71 : memref<128x128xf32, #tpu.memory_space<vmem_shared>>) dst(%arg9 : memref<128x128xf32, #tpu.memory_space<vmem>>)
          tpu.yield
        }) : () -> ()
        %eq3A_56 = arith.constant 0 : i32
        %eq3A_57 = arith.cmpi eq, %arg0, %eq3A_56 : i32
        %convert_element_type3A_58 = arith.extui %eq3A_57 : i1 to i32
        %cond3A_59 = arith.constant 0 : i32
        %cond3A_60 = arith.cmpi ne, %convert_element_type3A_58, %cond3A_59 : i32
        scf.if %cond3A_60 {
          "tpu.region"() ({
            %run_scoped3A = tpu.sem_alloc : memref<!tpu.dma_semaphore, #tpu.memory_space<semaphore_mem>>
            %dma_start3A = arith.constant 0 : i32
            %dma_start3A_66 = tpu.memref_slice %arg6[%add3A_55, %dma_start3A] : memref<10000x128xf32, #tpu.memory_space<hbm>> -> memref<128x128xf32, #tpu.memory_space<hbm>>
            %dma_start3A_67 = arith.constant 0 : i32
            %dma_start3A_68 = tpu.memref_slice %arg6[%add3A_55, %dma_start3A_67] : memref<10000x128xf32, #tpu.memory_space<hbm>> -> memref<128x128xf32, #tpu.memory_space<hbm>>
            tpu.enqueue_dma source(%arg9 : memref<128x128xf32, #tpu.memory_space<vmem>>) target(%dma_start3A_68 : memref<128x128xf32, #tpu.memory_space<hbm>>) target_semaphore(%run_scoped3A : memref<!tpu.dma_semaphore, #tpu.memory_space<semaphore_mem>>)
            %dma_wait3A = arith.constant 0 : i32
            %dma_wait3A_69 = tpu.memref_slice %arg6[%add3A_55, %dma_wait3A] : memref<10000x128xf32, #tpu.memory_space<hbm>> -> memref<128x128xf32, #tpu.memory_space<hbm>>
            %dma_wait3A_70 = arith.constant 0 : i32
            %dma_wait3A_71 = tpu.memref_slice %arg6[%add3A_55, %dma_wait3A_70] : memref<10000x128xf32, #tpu.memory_space<hbm>> -> memref<128x128xf32, #tpu.memory_space<hbm>>
            tpu.wait_dma2 semaphore(%run_scoped3A : memref<!tpu.dma_semaphore, #tpu.memory_space<semaphore_mem>>) src(%arg9 : memref<128x128xf32, #tpu.memory_space<vmem>>) dst(%dma_wait3A_71 : memref<128x128xf32, #tpu.memory_space<hbm>>)
            tpu.yield
          }) : () -> ()
        } else {
        }
        %eq3A_61 = arith.constant 1 : i32
        %eq3A_62 = arith.cmpi eq, %arg0, %eq3A_61 : i32
        %convert_element_type3A_63 = arith.extui %eq3A_62 : i1 to i32
        %cond3A_64 = arith.constant 0 : i32
        %cond3A_65 = arith.cmpi ne, %convert_element_type3A_63, %cond3A_64 : i32
        scf.if %cond3A_65 {
          "tpu.region"() ({
            %run_scoped3A = tpu.sem_alloc : memref<!tpu.dma_semaphore, #tpu.memory_space<semaphore_mem>>
            %dma_start3A = arith.constant 0 : i32
            %dma_start3A_66 = tpu.memref_slice %arg7[%add3A_55, %dma_start3A] : memref<10000x128xf32, #tpu.memory_space<hbm>> -> memref<128x128xf32, #tpu.memory_space<hbm>>
            %dma_start3A_67 = arith.constant 0 : i32
            %dma_start3A_68 = tpu.memref_slice %arg7[%add3A_55, %dma_start3A_67] : memref<10000x128xf32, #tpu.memory_space<hbm>> -> memref<128x128xf32, #tpu.memory_space<hbm>>
            tpu.enqueue_dma source(%arg9 : memref<128x128xf32, #tpu.memory_space<vmem>>) target(%dma_start3A_68 : memref<128x128xf32, #tpu.memory_space<hbm>>) target_semaphore(%run_scoped3A : memref<!tpu.dma_semaphore, #tpu.memory_space<semaphore_mem>>)
            %dma_wait3A = arith.constant 0 : i32
            %dma_wait3A_69 = tpu.memref_slice %arg7[%add3A_55, %dma_wait3A] : memref<10000x128xf32, #tpu.memory_space<hbm>> -> memref<128x128xf32, #tpu.memory_space<hbm>>
            %dma_wait3A_70 = arith.constant 0 : i32
            %dma_wait3A_71 = tpu.memref_slice %arg7[%add3A_55, %dma_wait3A_70] : memref<10000x128xf32, #tpu.memory_space<hbm>> -> memref<128x128xf32, #tpu.memory_space<hbm>>
            tpu.wait_dma2 semaphore(%run_scoped3A : memref<!tpu.dma_semaphore, #tpu.memory_space<semaphore_mem>>) src(%arg9 : memref<128x128xf32, #tpu.memory_space<vmem>>) dst(%dma_wait3A_71 : memref<128x128xf32, #tpu.memory_space<hbm>>)
            tpu.yield
          }) : () -> ()
        } else {
        }
      }
      %scan3A_39 = arith.constant 3 : i32
      %add3A_40 = arith.constant 384 : i32
      %add3A_41 = arith.addi %mul3A_0, %add3A_40 : i32
      "tpu.region"() ({
        %run_scoped3A = tpu.sem_alloc : memref<!tpu.dma_semaphore, #tpu.memory_space<semaphore_mem>>
        %dma_start3A = arith.constant 0 : i32
        %dma_start3A_52 = arith.constant 0 : i32
        %dma_start3A_53 = tpu.memref_slice %arg9[%dma_start3A, %dma_start3A_52] : memref<128x128xf32, #tpu.memory_space<vmem>> -> memref<16x128xf32, #tpu.memory_space<vmem>>
        %dma_start3A_54 = arith.constant 0 : i32
        %dma_start3A_55 = tpu.memref_slice %arg12[%add3A_41, %dma_start3A_54] : memref<10000x128xf32, #tpu.memory_space<vmem_shared>> -> memref<16x128xf32, #tpu.memory_space<vmem_shared>>
        %dma_start3A_56 = arith.constant 0 : i32
        %dma_start3A_57 = arith.constant 0 : i32
        %dma_start3A_58 = tpu.memref_slice %arg9[%dma_start3A_56, %dma_start3A_57] : memref<128x128xf32, #tpu.memory_space<vmem>> -> memref<16x128xf32, #tpu.memory_space<vmem>>
        %dma_start3A_59 = arith.constant 0 : i32
        %dma_start3A_60 = tpu.memref_slice %arg12[%add3A_41, %dma_start3A_59] : memref<10000x128xf32, #tpu.memory_space<vmem_shared>> -> memref<16x128xf32, #tpu.memory_space<vmem_shared>>
        tpu.enqueue_dma source(%dma_start3A_60 : memref<16x128xf32, #tpu.memory_space<vmem_shared>>) target(%dma_start3A_58 : memref<16x128xf32, #tpu.memory_space<vmem>>) target_semaphore(%run_scoped3A : memref<!tpu.dma_semaphore, #tpu.memory_space<semaphore_mem>>)
        %dma_wait3A = arith.constant 0 : i32
        %dma_wait3A_61 = arith.constant 0 : i32
        %dma_wait3A_62 = tpu.memref_slice %arg9[%dma_wait3A, %dma_wait3A_61] : memref<128x128xf32, #tpu.memory_space<vmem>> -> memref<16x128xf32, #tpu.memory_space<vmem>>
        %dma_wait3A_63 = arith.constant 0 : i32
        %dma_wait3A_64 = tpu.memref_slice %arg12[%add3A_41, %dma_wait3A_63] : memref<10000x128xf32, #tpu.memory_space<vmem_shared>> -> memref<16x128xf32, #tpu.memory_space<vmem_shared>>
        %dma_wait3A_65 = arith.constant 0 : i32
        %dma_wait3A_66 = arith.constant 0 : i32
        %dma_wait3A_67 = tpu.memref_slice %arg9[%dma_wait3A_65, %dma_wait3A_66] : memref<128x128xf32, #tpu.memory_space<vmem>> -> memref<16x128xf32, #tpu.memory_space<vmem>>
        %dma_wait3A_68 = arith.constant 0 : i32
        %dma_wait3A_69 = tpu.memref_slice %arg12[%add3A_41, %dma_wait3A_68] : memref<10000x128xf32, #tpu.memory_space<vmem_shared>> -> memref<16x128xf32, #tpu.memory_space<vmem_shared>>
        tpu.wait_dma2 semaphore(%run_scoped3A : memref<!tpu.dma_semaphore, #tpu.memory_space<semaphore_mem>>) src(%dma_wait3A_69 : memref<16x128xf32, #tpu.memory_space<vmem_shared>>) dst(%dma_wait3A_67 : memref<16x128xf32, #tpu.memory_space<vmem>>)
        tpu.yield
      }) : () -> ()
      %eq3A_42 = arith.constant 0 : i32
      %eq3A_43 = arith.cmpi eq, %arg0, %eq3A_42 : i32
      %convert_element_type3A_44 = arith.extui %eq3A_43 : i1 to i32
      %cond3A_45 = arith.constant 0 : i32
      %cond3A_46 = arith.cmpi ne, %convert_element_type3A_44, %cond3A_45 : i32
      scf.if %cond3A_46 {
        "tpu.region"() ({
          %run_scoped3A = tpu.sem_alloc : memref<!tpu.dma_semaphore, #tpu.memory_space<semaphore_mem>>
          %dma_start3A = arith.constant 0 : i32
          %dma_start3A_52 = arith.constant 0 : i32
          %dma_start3A_53 = tpu.memref_slice %arg9[%dma_start3A, %dma_start3A_52] : memref<128x128xf32, #tpu.memory_space<vmem>> -> memref<16x128xf32, #tpu.memory_space<vmem>>
          %dma_start3A_54 = arith.constant 0 : i32
          %dma_start3A_55 = tpu.memref_slice %arg6[%add3A_41, %dma_start3A_54] : memref<10000x128xf32, #tpu.memory_space<hbm>> -> memref<16x128xf32, #tpu.memory_space<hbm>>
          %dma_start3A_56 = arith.constant 0 : i32
          %dma_start3A_57 = tpu.memref_slice %arg6[%add3A_41, %dma_start3A_56] : memref<10000x128xf32, #tpu.memory_space<hbm>> -> memref<16x128xf32, #tpu.memory_space<hbm>>
          %dma_start3A_58 = arith.constant 0 : i32
          %dma_start3A_59 = arith.constant 0 : i32
          %dma_start3A_60 = tpu.memref_slice %arg9[%dma_start3A_58, %dma_start3A_59] : memref<128x128xf32, #tpu.memory_space<vmem>> -> memref<16x128xf32, #tpu.memory_space<vmem>>
          tpu.enqueue_dma source(%dma_start3A_60 : memref<16x128xf32, #tpu.memory_space<vmem>>) target(%dma_start3A_57 : memref<16x128xf32, #tpu.memory_space<hbm>>) target_semaphore(%run_scoped3A : memref<!tpu.dma_semaphore, #tpu.memory_space<semaphore_mem>>)
          %dma_wait3A = arith.constant 0 : i32
          %dma_wait3A_61 = arith.constant 0 : i32
          %dma_wait3A_62 = tpu.memref_slice %arg9[%dma_wait3A, %dma_wait3A_61] : memref<128x128xf32, #tpu.memory_space<vmem>> -> memref<16x128xf32, #tpu.memory_space<vmem>>
          %dma_wait3A_63 = arith.constant 0 : i32
          %dma_wait3A_64 = tpu.memref_slice %arg6[%add3A_41, %dma_wait3A_63] : memref<10000x128xf32, #tpu.memory_space<hbm>> -> memref<16x128xf32, #tpu.memory_space<hbm>>
          %dma_wait3A_65 = arith.constant 0 : i32
          %dma_wait3A_66 = tpu.memref_slice %arg6[%add3A_41, %dma_wait3A_65] : memref<10000x128xf32, #tpu.memory_space<hbm>> -> memref<16x128xf32, #tpu.memory_space<hbm>>
          %dma_wait3A_67 = arith.constant 0 : i32
          %dma_wait3A_68 = arith.constant 0 : i32
          %dma_wait3A_69 = tpu.memref_slice %arg9[%dma_wait3A_67, %dma_wait3A_68] : memref<128x128xf32, #tpu.memory_space<vmem>> -> memref<16x128xf32, #tpu.memory_space<vmem>>
          tpu.wait_dma2 semaphore(%run_scoped3A : memref<!tpu.dma_semaphore, #tpu.memory_space<semaphore_mem>>) src(%dma_wait3A_69 : memref<16x128xf32, #tpu.memory_space<vmem>>) dst(%dma_wait3A_66 : memref<16x128xf32, #tpu.memory_space<hbm>>)
          tpu.yield
        }) : () -> ()
      } else {
      }
      %eq3A_47 = arith.constant 1 : i32
      %eq3A_48 = arith.cmpi eq, %arg0, %eq3A_47 : i32
      %convert_element_type3A_49 = arith.extui %eq3A_48 : i1 to i32
      %cond3A_50 = arith.constant 0 : i32
      %cond3A_51 = arith.cmpi ne, %convert_element_type3A_49, %cond3A_50 : i32
      scf.if %cond3A_51 {
        "tpu.region"() ({
          %run_scoped3A = tpu.sem_alloc : memref<!tpu.dma_semaphore, #tpu.memory_space<semaphore_mem>>
          %dma_start3A = arith.constant 0 : i32
          %dma_start3A_52 = arith.constant 0 : i32
          %dma_start3A_53 = tpu.memref_slice %arg9[%dma_start3A, %dma_start3A_52] : memref<128x128xf32, #tpu.memory_space<vmem>> -> memref<16x128xf32, #tpu.memory_space<vmem>>
          %dma_start3A_54 = arith.constant 0 : i32
          %dma_start3A_55 = tpu.memref_slice %arg7[%add3A_41, %dma_start3A_54] : memref<10000x128xf32, #tpu.memory_space<hbm>> -> memref<16x128xf32, #tpu.memory_space<hbm>>
          %dma_start3A_56 = arith.constant 0 : i32
          %dma_start3A_57 = tpu.memref_slice %arg7[%add3A_41, %dma_start3A_56] : memref<10000x128xf32, #tpu.memory_space<hbm>> -> memref<16x128xf32, #tpu.memory_space<hbm>>
          %dma_start3A_58 = arith.constant 0 : i32
          %dma_start3A_59 = arith.constant 0 : i32
          %dma_start3A_60 = tpu.memref_slice %arg9[%dma_start3A_58, %dma_start3A_59] : memref<128x128xf32, #tpu.memory_space<vmem>> -> memref<16x128xf32, #tpu.memory_space<vmem>>
          tpu.enqueue_dma source(%dma_start3A_60 : memref<16x128xf32, #tpu.memory_space<vmem>>) target(%dma_start3A_57 : memref<16x128xf32, #tpu.memory_space<hbm>>) target_semaphore(%run_scoped3A : memref<!tpu.dma_semaphore, #tpu.memory_space<semaphore_mem>>)
          %dma_wait3A = arith.constant 0 : i32
          %dma_wait3A_61 = arith.constant 0 : i32
          %dma_wait3A_62 = tpu.memref_slice %arg9[%dma_wait3A, %dma_wait3A_61] : memref<128x128xf32, #tpu.memory_space<vmem>> -> memref<16x128xf32, #tpu.memory_space<vmem>>
          %dma_wait3A_63 = arith.constant 0 : i32
          %dma_wait3A_64 = tpu.memref_slice %arg7[%add3A_41, %dma_wait3A_63] : memref<10000x128xf32, #tpu.memory_space<hbm>> -> memref<16x128xf32, #tpu.memory_space<hbm>>
          %dma_wait3A_65 = arith.constant 0 : i32
          %dma_wait3A_66 = tpu.memref_slice %arg7[%add3A_41, %dma_wait3A_65] : memref<10000x128xf32, #tpu.memory_space<hbm>> -> memref<16x128xf32, #tpu.memory_space<hbm>>
          %dma_wait3A_67 = arith.constant 0 : i32
          %dma_wait3A_68 = arith.constant 0 : i32
          %dma_wait3A_69 = tpu.memref_slice %arg9[%dma_wait3A_67, %dma_wait3A_68] : memref<128x128xf32, #tpu.memory_space<vmem>> -> memref<16x128xf32, #tpu.memory_space<vmem>>
          tpu.wait_dma2 semaphore(%run_scoped3A : memref<!tpu.dma_semaphore, #tpu.memory_space<semaphore_mem>>) src(%dma_wait3A_69 : memref<16x128xf32, #tpu.memory_space<vmem>>) dst(%dma_wait3A_66 : memref<16x128xf32, #tpu.memory_space<hbm>>)
          tpu.yield
        }) : () -> ()
      } else {
      }
    } else {
    }
    return
  }
}

module attributes {stable_mosaic.version = 14 : i64} {
  func.func @_smm_body(%arg0: i32, %arg1: memref<1x1x2000xi32, #tpu.memory_space<smem>>, %arg2: memref<2000x128xf32, #tpu.memory_space<vmem>>, %arg3: memref<10000x128xf32, #tpu.memory_space<vmem>>, %arg4: memref<10000x128xf32, #tpu.memory_space<vmem>>, %arg5: memref<10000x1xf32, #tpu.memory_space<vmem>>) attributes {dimension_semantics = [#tpu.dimension_semantics<arbitrary>], iteration_bounds = array<i64: 160>, scalar_prefetch = 0 : i64, scratch_operands = 0 : i64, tpu.core_type = #tpu.core_type<tc>, window_params = [{transform_indices = @transform_0, window_bounds = array<i64: 1, 1, 2000>}, {transform_indices = @transform_1, window_bounds = array<i64: 2000, 128>}, {pipeline_mode = #tpu.pipeline_mode<synchronous>, transform_indices = @transform_2, window_bounds = array<i64: 10000, 128>}, {pipeline_mode = #tpu.pipeline_mode<synchronous>, transform_indices = @transform_3, window_bounds = array<i64: 10000, 128>}, {pipeline_mode = #tpu.pipeline_mode<synchronous>, transform_indices = @transform_4, window_bounds = array<i64: 10000, 1>}]} {
    %eq3A = arith.constant 0 : i32
    %eq3A_0 = arith.cmpi eq, %arg0, %eq3A : i32
    %convert_element_type3A = arith.extui %eq3A_0 : i1 to i32
    %cond3A = arith.constant 0 : i32
    %cond3A_1 = arith.cmpi ne, %convert_element_type3A, %cond3A : i32
    scf.if %cond3A_1 {
      %broadcast_in_dim3A = arith.constant -3.000000e+38 : f32
      %broadcast_in_dim3A_6 = vector.broadcast %broadcast_in_dim3A : f32 to vector<10000x128xf32>
      %swap3A = arith.constant 0 : index
      %swap3A_7 = arith.constant 0 : index
      %swap3A_8 = vector.load %arg3[%swap3A, %swap3A_7] : memref<10000x128xf32, #tpu.memory_space<vmem>>, vector<10000x128xf32>
      tpu.vector_store %arg3[%swap3A, %swap3A_7], %broadcast_in_dim3A_6 {strides = array<i32>} : memref<10000x128xf32, #tpu.memory_space<vmem>>, vector<10000x128xf32>,
      %broadcast_in_dim3A_9 = arith.constant 3.000000e+38 : f32
      %broadcast_in_dim3A_10 = vector.broadcast %broadcast_in_dim3A_9 : f32 to vector<10000x128xf32>
      %swap3A_11 = arith.constant 0 : index
      %swap3A_12 = arith.constant 0 : index
      %swap3A_13 = vector.load %arg4[%swap3A_11, %swap3A_12] : memref<10000x128xf32, #tpu.memory_space<vmem>>, vector<10000x128xf32>
      tpu.vector_store %arg4[%swap3A_11, %swap3A_12], %broadcast_in_dim3A_10 {strides = array<i32>} : memref<10000x128xf32, #tpu.memory_space<vmem>>, vector<10000x128xf32>,
      %broadcast_in_dim3A_14 = arith.constant 0.000000e+00 : f32
      %broadcast_in_dim3A_15 = vector.broadcast %broadcast_in_dim3A_14 : f32 to vector<10000x1xf32>
      %swap3A_16 = arith.constant 0 : index
      %swap3A_17 = arith.constant 0 : index
      %swap3A_18 = vector.load %arg5[%swap3A_16, %swap3A_17] : memref<10000x1xf32, #tpu.memory_space<vmem>>, vector<10000x1xf32>
      tpu.vector_store %arg5[%swap3A_16, %swap3A_17], %broadcast_in_dim3A_15 {strides = array<i32>} : memref<10000x1xf32, #tpu.memory_space<vmem>>, vector<10000x1xf32>,
    } else {
    }
    %scan3A = arith.constant 0 : i32
    %scan3A_2 = arith.constant 2000 : i32
    %scan3A_3 = arith.addi %scan3A, %scan3A_2 : i32
    %scan3A_4 = arith.constant 1 : i32
    scf.for %scan3A_6 = %scan3A to %scan3A_3 step %scan3A_4  : i32 {
      %get3A = arith.constant 0 : index
      %get3A_7 = arith.constant 0 : index
      %get3A_8 = arith.index_cast %scan3A_6 : i32 to index
      %get3A_9 = memref.load %arg1[%get3A, %get3A_7, %get3A_8] : memref<1x1x2000xi32, #tpu.memory_space<smem>>
      %get3A_10 = arith.index_cast %scan3A_6 : i32 to index
      %get3A_11 = arith.constant 0 : index
      %get3A_12 = vector.load %arg2[%get3A_10, %get3A_11] : memref<2000x128xf32, #tpu.memory_space<vmem>>, vector<1x128xf32>
      %get3A_13 = arith.index_cast %get3A_9 : i32 to index
      %get3A_14 = arith.constant 0 : index
      %get3A_15 = vector.load %arg3[%get3A_13, %get3A_14] : memref<10000x128xf32, #tpu.memory_space<vmem>>, vector<1x128xf32>
      %max3A = arith.maximumf %get3A_15, %get3A_12 : vector<1x128xf32>
      %swap3A = arith.index_cast %get3A_9 : i32 to index
      %swap3A_16 = arith.constant 0 : index
      %swap3A_17 = vector.load %arg3[%swap3A, %swap3A_16] : memref<10000x128xf32, #tpu.memory_space<vmem>>, vector<1x128xf32>
      tpu.vector_store %arg3[%swap3A, %swap3A_16], %max3A {strides = array<i32>} : memref<10000x128xf32, #tpu.memory_space<vmem>>, vector<1x128xf32>,
      %get3A_18 = arith.index_cast %get3A_9 : i32 to index
      %get3A_19 = arith.constant 0 : index
      %get3A_20 = vector.load %arg4[%get3A_18, %get3A_19] : memref<10000x128xf32, #tpu.memory_space<vmem>>, vector<1x128xf32>
      %min3A = arith.minimumf %get3A_20, %get3A_12 : vector<1x128xf32>
      %swap3A_21 = arith.index_cast %get3A_9 : i32 to index
      %swap3A_22 = arith.constant 0 : index
      %swap3A_23 = vector.load %arg4[%swap3A_21, %swap3A_22] : memref<10000x128xf32, #tpu.memory_space<vmem>>, vector<1x128xf32>
      tpu.vector_store %arg4[%swap3A_21, %swap3A_22], %min3A {strides = array<i32>} : memref<10000x128xf32, #tpu.memory_space<vmem>>, vector<1x128xf32>,
      %get3A_24 = arith.index_cast %get3A_9 : i32 to index
      %get3A_25 = arith.constant 0 : index
      %get3A_26 = vector.load %arg5[%get3A_24, %get3A_25] : memref<10000x1xf32, #tpu.memory_space<vmem>>, vector<1x1xf32>
      %add3A = arith.constant 1.000000e+00 : f32
      %add3A_27 = vector.broadcast %add3A : f32 to vector<1x1xf32>
      %add3A_28 = arith.addf %get3A_26, %add3A_27 : vector<1x1xf32>
      %swap3A_29 = arith.index_cast %get3A_9 : i32 to index
      %swap3A_30 = arith.constant 0 : index
      %swap3A_31 = vector.load %arg5[%swap3A_29, %swap3A_30] : memref<10000x1xf32, #tpu.memory_space<vmem>>, vector<1x1xf32>
      tpu.vector_store %arg5[%swap3A_29, %swap3A_30], %add3A_28 {strides = array<i32>} : memref<10000x1xf32, #tpu.memory_space<vmem>>, vector<1x1xf32>,
    }
    %scan3A_5 = arith.constant 2000 : i32
    return
  }
  func.func @transform_0(%arg0: i32) -> (i32, i32, i32) {
    %c0_i32 = arith.constant 0 : i32
    %c0_i32_0 = arith.constant 0 : i32
    %c0_i32_1 = arith.constant 0 : i32
    return %arg0, %c0_i32, %c0_i32_0 : i32, i32, i32
  }
  func.func @transform_1(%arg0: i32) -> (i32, i32) {
    %c0_i32 = arith.constant 0 : i32
    %c0_i32_0 = arith.constant 0 : i32
    return %arg0, %c0_i32 : i32, i32
  }
  func.func @transform_2(%arg0: i32) -> (i32, i32) {
    %c0_i32 = arith.constant 0 : i32
    %c0_i32_0 = arith.constant 0 : i32
    %c0_i32_1 = arith.constant 0 : i32
    return %c0_i32, %c0_i32_0 : i32, i32
  }
  func.func @transform_3(%arg0: i32) -> (i32, i32) {
    %c0_i32 = arith.constant 0 : i32
    %c0_i32_0 = arith.constant 0 : i32
    %c0_i32_1 = arith.constant 0 : i32
    return %c0_i32, %c0_i32_0 : i32, i32
  }
  func.func @transform_4(%arg0: i32) -> (i32, i32) {
    %c0_i32 = arith.constant 0 : i32
    %c0_i32_0 = arith.constant 0 : i32
    %c0_i32_1 = arith.constant 0 : i32
    return %c0_i32, %c0_i32_0 : i32, i32
  }
}

module attributes {stable_mosaic.version = 14 : i64} {
  func.func @_msg_body(%arg0: i32, %arg1: memref<2000x128xf32, #tpu.memory_space<vmem>>, %arg2: memref<1x1x2000xi32, #tpu.memory_space<vmem>>, %arg3: memref<128x384xf32, #tpu.memory_space<vmem>>, %arg4: memref<1x384xf32, #tpu.memory_space<vmem>>, %arg5: memref<35x384xf32, #tpu.memory_space<vmem>>, %arg6: memref<2000x128xf32, #tpu.memory_space<vmem>>, %arg7: memref<2000x128xf32, #tpu.memory_space<vmem>>) attributes {dimension_semantics = [#tpu.dimension_semantics<arbitrary>], iteration_bounds = array<i64: 160>, scalar_prefetch = 0 : i64, scratch_operands = 0 : i64, tpu.core_type = #tpu.core_type<tc>, window_params = [{transform_indices = @transform_0, window_bounds = array<i64: 2000, 128>}, {transform_indices = @transform_1, window_bounds = array<i64: 1, 1, 2000>}, {pipeline_mode = #tpu.pipeline_mode<synchronous>, transform_indices = @transform_2, window_bounds = array<i64: 128, 384>}, {pipeline_mode = #tpu.pipeline_mode<synchronous>, transform_indices = @transform_3, window_bounds = array<i64: 1, 384>}, {pipeline_mode = #tpu.pipeline_mode<synchronous>, transform_indices = @transform_4, window_bounds = array<i64: 35, 384>}, {transform_indices = @transform_5, window_bounds = array<i64: 2000, 128>}, {transform_indices = @transform_6, window_bounds = array<i64: 2000, 128>}]} {
    %get3A = arith.constant 0 : index
    %get3A_0 = arith.constant 0 : index
    %get3A_1 = vector.load %arg1[%get3A, %get3A_0] : memref<2000x128xf32, #tpu.memory_space<vmem>>, vector<2000x128xf32>
    %get3A_2 = arith.constant 0 : index
    %get3A_3 = arith.constant 0 : index
    %get3A_4 = vector.load %arg3[%get3A_2, %get3A_3] : memref<128x384xf32, #tpu.memory_space<vmem>>, vector<128x384xf32>
    %dot_general3A = arith.constant dense<0.000000e+00> : vector<2000x384xf32>
    %dot_general3A_5 = tpu.matmul %get3A_1, %get3A_4, %dot_general3A {dimension_numbers = #tpu.dot_dimension_numbers<[1], [0], [0], [1], [0, 0, 1, 1], [], []>, transpose_lhs_hint = false} : vector<2000x128xf32>, vector<128x384xf32>, vector<2000x384xf32> -> vector<2000x384xf32>
    %get3A_6 = arith.constant 0 : index
    %get3A_7 = arith.constant 0 : index
    %get3A_8 = vector.load %arg4[%get3A_6, %get3A_7] : memref<1x384xf32, #tpu.memory_space<vmem>>, vector<1x384xf32>
    %add3A = vector.broadcast %get3A_8 : vector<1x384xf32> to vector<2000x384xf32>
    %add3A_9 = arith.addf %dot_general3A_5, %add3A : vector<2000x384xf32>
    %get3A_10 = arith.constant 0 : index
    %get3A_11 = arith.constant 0 : index
    %get3A_12 = arith.constant 0 : index
    %get3A_13 = vector.load %arg2[%get3A_10, %get3A_11, %get3A_12] : memref<1x1x2000xi32, #tpu.memory_space<vmem>>, vector<1x1x2000xi32>
    %get3A_14 = vector.shape_cast %get3A_13 : vector<1x1x2000xi32> to vector<2000xi32>
    %broadcast_in_dim3A = vector.shape_cast %get3A_14 : vector<2000xi32> to vector<2000x1xi32>
    %iota3A = tpu.iota {dimensions = array<i32: 1>} : vector<2000x35xi32>
    %eq3A = vector.broadcast %broadcast_in_dim3A : vector<2000x1xi32> to vector<2000x35xi32>
    %eq3A_15 = arith.cmpi eq, %eq3A, %iota3A : vector<2000x35xi32>
    %convert_element_type3A = arith.extui %eq3A_15 : vector<2000x35xi1> to vector<2000x35xi32>
    %convert_element_type3A_16 = arith.sitofp %convert_element_type3A : vector<2000x35xi32> to vector<2000x35xf32>
    %get3A_17 = arith.constant 0 : index
    %get3A_18 = arith.constant 0 : index
    %get3A_19 = vector.load %arg5[%get3A_17, %get3A_18] : memref<35x384xf32, #tpu.memory_space<vmem>>, vector<35x384xf32>
    %dot_general3A_20 = arith.constant dense<0.000000e+00> : vector<2000x384xf32>
    %dot_general3A_21 = tpu.matmul %convert_element_type3A_16, %get3A_19, %dot_general3A_20 {dimension_numbers = #tpu.dot_dimension_numbers<[1], [0], [0], [1], [0, 0, 1, 1], [], []>, transpose_lhs_hint = false} : vector<2000x35xf32>, vector<35x384xf32>, vector<2000x384xf32> -> vector<2000x384xf32>
    %slice3A = vector.extract_strided_slice %dot_general3A_21 {offsets = [0, 0], sizes = [2000, 128], strides = [1, 1]} : vector<2000x384xf32> to vector<2000x128xf32>
    %slice3A_22 = vector.extract_strided_slice %dot_general3A_21 {offsets = [0, 128], sizes = [2000, 128], strides = [1, 1]} : vector<2000x384xf32> to vector<2000x128xf32>
    %slice3A_23 = vector.extract_strided_slice %dot_general3A_21 {offsets = [0, 256], sizes = [2000, 128], strides = [1, 1]} : vector<2000x384xf32> to vector<2000x128xf32>
    %slice3A_24 = vector.extract_strided_slice %add3A_9 {offsets = [0, 0], sizes = [2000, 128], strides = [1, 1]} : vector<2000x384xf32> to vector<2000x128xf32>
    %slice3A_25 = vector.extract_strided_slice %add3A_9 {offsets = [0, 128], sizes = [2000, 128], strides = [1, 1]} : vector<2000x384xf32> to vector<2000x128xf32>
    %slice3A_26 = vector.extract_strided_slice %add3A_9 {offsets = [0, 256], sizes = [2000, 128], strides = [1, 1]} : vector<2000x384xf32> to vector<2000x128xf32>
    %add3A_27 = arith.addf %slice3A, %slice3A_24 : vector<2000x128xf32>
    %logistic3A = arith.negf %add3A_27 : vector<2000x128xf32>
    %logistic3A_28 = math.exp %logistic3A : vector<2000x128xf32>
    %logistic3A_29 = arith.constant 1.000000e+00 : f32
    %logistic3A_30 = vector.broadcast %logistic3A_29 : f32 to vector<2000x128xf32>
    %logistic3A_31 = arith.addf %logistic3A_30, %logistic3A_28 : vector<2000x128xf32>
    %logistic3A_32 = arith.divf %logistic3A_30, %logistic3A_31 : vector<2000x128xf32>
    %add3A_33 = arith.addf %slice3A_22, %slice3A_25 : vector<2000x128xf32>
    %logistic3A_34 = arith.negf %add3A_33 : vector<2000x128xf32>
    %logistic3A_35 = math.exp %logistic3A_34 : vector<2000x128xf32>
    %logistic3A_36 = arith.constant 1.000000e+00 : f32
    %logistic3A_37 = vector.broadcast %logistic3A_36 : f32 to vector<2000x128xf32>
    %logistic3A_38 = arith.addf %logistic3A_37, %logistic3A_35 : vector<2000x128xf32>
    %logistic3A_39 = arith.divf %logistic3A_37, %logistic3A_38 : vector<2000x128xf32>
    %mul3A = arith.mulf %logistic3A_32, %slice3A_26 : vector<2000x128xf32>
    %add3A_40 = arith.addf %slice3A_23, %mul3A : vector<2000x128xf32>
    %tanh3A = math.tanh %add3A_40 : vector<2000x128xf32>
    %sub3A = arith.constant 1.000000e+00 : f32
    %sub3A_41 = vector.broadcast %sub3A : f32 to vector<2000x128xf32>
    %sub3A_42 = arith.subf %sub3A_41, %logistic3A_39 : vector<2000x128xf32>
    %mul3A_43 = arith.mulf %sub3A_42, %tanh3A : vector<2000x128xf32>
    %mul3A_44 = arith.mulf %logistic3A_39, %get3A_1 : vector<2000x128xf32>
    %add3A_45 = arith.addf %mul3A_43, %mul3A_44 : vector<2000x128xf32>
    %swap3A = arith.constant 0 : index
    %swap3A_46 = arith.constant 0 : index
    %swap3A_47 = vector.load %arg6[%swap3A, %swap3A_46] : memref<2000x128xf32, #tpu.memory_space<vmem>>, vector<2000x128xf32>
    tpu.vector_store %arg6[%swap3A, %swap3A_46], %add3A_45 {strides = array<i32>} : memref<2000x128xf32, #tpu.memory_space<vmem>>, vector<2000x128xf32>,
    %mul3A_48 = arith.mulf %add3A_45, %add3A_45 : vector<2000x128xf32>
    %swap3A_49 = arith.constant 0 : index
    %swap3A_50 = arith.constant 0 : index
    %swap3A_51 = vector.load %arg7[%swap3A_49, %swap3A_50] : memref<2000x128xf32, #tpu.memory_space<vmem>>, vector<2000x128xf32>
    tpu.vector_store %arg7[%swap3A_49, %swap3A_50], %mul3A_48 {strides = array<i32>} : memref<2000x128xf32, #tpu.memory_space<vmem>>, vector<2000x128xf32>,
    return
  }
  func.func @transform_0(%arg0: i32) -> (i32, i32) {
    %c0_i32 = arith.constant 0 : i32
    %c0_i32_0 = arith.constant 0 : i32
    return %arg0, %c0_i32 : i32, i32
  }
  func.func @transform_1(%arg0: i32) -> (i32, i32, i32) {
    %c0_i32 = arith.constant 0 : i32
    %c0_i32_0 = arith.constant 0 : i32
    %c0_i32_1 = arith.constant 0 : i32
    return %arg0, %c0_i32, %c0_i32_0 : i32, i32, i32
  }
  func.func @transform_2(%arg0: i32) -> (i32, i32) {
    %c0_i32 = arith.constant 0 : i32
    %c0_i32_0 = arith.constant 0 : i32
    %c0_i32_1 = arith.constant 0 : i32
    return %c0_i32, %c0_i32_0 : i32, i32
  }
  func.func @transform_3(%arg0: i32) -> (i32, i32) {
    %c0_i32 = arith.constant 0 : i32
    %c0_i32_0 = arith.constant 0 : i32
    %c0_i32_1 = arith.constant 0 : i32
    return %c0_i32, %c0_i32_0 : i32, i32
  }
  func.func @transform_4(%arg0: i32) -> (i32, i32) {
    %c0_i32 = arith.constant 0 : i32
    %c0_i32_0 = arith.constant 0 : i32
    %c0_i32_1 = arith.constant 0 : i32
    return %c0_i32, %c0_i32_0 : i32, i32
  }
  func.func @transform_5(%arg0: i32) -> (i32, i32) {
    %c0_i32 = arith.constant 0 : i32
    %c0_i32_0 = arith.constant 0 : i32
    return %arg0, %c0_i32 : i32, i32
  }
  func.func @transform_6(%arg0: i32) -> (i32, i32) {
    %c0_i32 = arith.constant 0 : i32
    %c0_i32_0 = arith.constant 0 : i32
    return %arg0, %c0_i32 : i32, i32
  }
}

module attributes {stable_mosaic.version = 14 : i64} {
  func.func @_pna_body(%arg0: i32, %arg1: memref<1000x128xf32, #tpu.memory_space<vmem>>, %arg2: memref<1000x128xf32, #tpu.memory_space<vmem>>, %arg3: memref<1000x128xf32, #tpu.memory_space<vmem>>, %arg4: memref<1000x128xf32, #tpu.memory_space<vmem>>, %arg5: memref<1000x1xf32, #tpu.memory_space<vmem>>, %arg6: memref<1000x1xf32, #tpu.memory_space<vmem>>, %arg7: memref<1000x128xf32, #tpu.memory_space<vmem>>, %arg8: memref<1000x2xi32, #tpu.memory_space<vmem>>, %arg9: memref<1664x128xf32, #tpu.memory_space<vmem>>, %arg10: memref<1x128xf32, #tpu.memory_space<vmem>>, %arg11: memref<1000x128xf32, #tpu.memory_space<vmem>>, %arg12: memref<8x128xf32, #tpu.memory_space<vmem>>, %arg13: memref<8x128xf32, #tpu.memory_space<vmem>>) attributes {dimension_semantics = [#tpu.dimension_semantics<arbitrary>], iteration_bounds = array<i64: 10>, scalar_prefetch = 0 : i64, scratch_operands = 0 : i64, tpu.core_type = #tpu.core_type<tc>, window_params = [{transform_indices = @transform_0, window_bounds = array<i64: 1000, 128>}, {transform_indices = @transform_1, window_bounds = array<i64: 1000, 128>}, {transform_indices = @transform_2, window_bounds = array<i64: 1000, 128>}, {transform_indices = @transform_3, window_bounds = array<i64: 1000, 128>}, {transform_indices = @transform_4, window_bounds = array<i64: 1000, 1>}, {transform_indices = @transform_5, window_bounds = array<i64: 1000, 1>}, {transform_indices = @transform_6, window_bounds = array<i64: 1000, 128>}, {transform_indices = @transform_7, window_bounds = array<i64: 1000, 2>}, {pipeline_mode = #tpu.pipeline_mode<synchronous>, transform_indices = @transform_8, window_bounds = array<i64: 1664, 128>}, {pipeline_mode = #tpu.pipeline_mode<synchronous>, transform_indices = @transform_9, window_bounds = array<i64: 1, 128>}, {transform_indices = @transform_10, window_bounds = array<i64: 1000, 128>}, {pipeline_mode = #tpu.pipeline_mode<synchronous>, transform_indices = @transform_11, window_bounds = array<i64: 8, 128>}, {pipeline_mode = #tpu.pipeline_mode<synchronous>, transform_indices = @transform_12, window_bounds = array<i64: 8, 128>}]} {
    %get3A = arith.constant 0 : index
    %get3A_0 = arith.constant 0 : index
    %get3A_1 = vector.load %arg5[%get3A, %get3A_0] : memref<1000x1xf32, #tpu.memory_space<vmem>>, vector<1000x1xf32>
    %div3A = arith.constant 1.000000e+00 : f32
    %div3A_2 = vector.broadcast %div3A : f32 to vector<1000x1xf32>
    %div3A_3 = arith.divf %div3A_2, %get3A_1 : vector<1000x1xf32>
    %get3A_4 = arith.constant 0 : index
    %get3A_5 = arith.constant 0 : index
    %get3A_6 = vector.load %arg6[%get3A_4, %get3A_5] : memref<1000x1xf32, #tpu.memory_space<vmem>>, vector<1000x1xf32>
    %get3A_7 = arith.constant 0 : index
    %get3A_8 = arith.constant 0 : index
    %get3A_9 = vector.load %arg1[%get3A_7, %get3A_8] : memref<1000x128xf32, #tpu.memory_space<vmem>>, vector<1000x128xf32>
    %mul3A = vector.broadcast %div3A_3 : vector<1000x1xf32> to vector<1000x128xf32>
    %mul3A_10 = arith.mulf %get3A_9, %mul3A : vector<1000x128xf32>
    %get3A_11 = arith.constant 0 : index
    %get3A_12 = arith.constant 0 : index
    %get3A_13 = vector.load %arg2[%get3A_11, %get3A_12] : memref<1000x128xf32, #tpu.memory_space<vmem>>, vector<1000x128xf32>
    %mul3A_14 = vector.broadcast %div3A_3 : vector<1000x1xf32> to vector<1000x128xf32>
    %mul3A_15 = arith.mulf %get3A_13, %mul3A_14 : vector<1000x128xf32>
    %mul3A_16 = arith.mulf %mul3A_10, %mul3A_10 : vector<1000x128xf32>
    %sub3A = arith.subf %mul3A_15, %mul3A_16 : vector<1000x128xf32>
    %max3A = arith.constant 0.000000e+00 : f32
    %max3A_17 = vector.broadcast %max3A : f32 to vector<1000x128xf32>
    %max3A_18 = arith.maximumf %sub3A, %max3A_17 : vector<1000x128xf32>
    %add3A = arith.constant 9.99999997E-7 : f32
    %add3A_19 = vector.broadcast %add3A : f32 to vector<1000x128xf32>
    %add3A_20 = arith.addf %max3A_18, %add3A_19 : vector<1000x128xf32>
    %sqrt3A = math.sqrt %add3A_20 : vector<1000x128xf32>
    %gt3A = arith.constant 0.000000e+00 : f32
    %gt3A_21 = vector.broadcast %gt3A : f32 to vector<1000x1xf32>
    %gt3A_22 = arith.cmpf ogt, %get3A_6, %gt3A_21 : vector<1000x1xf32>
    %get3A_23 = arith.constant 0 : index
    %get3A_24 = arith.constant 0 : index
    %get3A_25 = vector.load %arg3[%get3A_23, %get3A_24] : memref<1000x128xf32, #tpu.memory_space<vmem>>, vector<1000x128xf32>
    %jit3A = arith.constant 0.000000e+00 : f32
    %broadcast_in_dim3A = vector.shape_cast %gt3A_22 : vector<1000x1xi1> to vector<1000x1xi1>
    %broadcast_in_dim3A_26 = vector.broadcast %broadcast_in_dim3A : vector<1000x1xi1> to vector<1000x128xi1>
    %broadcast_in_dim3A_27 = vector.broadcast %jit3A : f32 to vector<1000x128xf32>
    %select_n3A = arith.select %broadcast_in_dim3A_26, %get3A_25, %broadcast_in_dim3A_27 : vector<1000x128xi1>, vector<1000x128xf32>
    %gt3A_28 = arith.constant 0.000000e+00 : f32
    %gt3A_29 = vector.broadcast %gt3A_28 : f32 to vector<1000x1xf32>
    %gt3A_30 = arith.cmpf ogt, %get3A_6, %gt3A_29 : vector<1000x1xf32>
    %get3A_31 = arith.constant 0 : index
    %get3A_32 = arith.constant 0 : index
    %get3A_33 = vector.load %arg4[%get3A_31, %get3A_32] : memref<1000x128xf32, #tpu.memory_space<vmem>>, vector<1000x128xf32>
    %jit3A_34 = arith.constant 0.000000e+00 : f32
    %broadcast_in_dim3A_35 = vector.shape_cast %gt3A_30 : vector<1000x1xi1> to vector<1000x1xi1>
    %broadcast_in_dim3A_36 = vector.broadcast %broadcast_in_dim3A_35 : vector<1000x1xi1> to vector<1000x128xi1>
    %broadcast_in_dim3A_37 = vector.broadcast %jit3A_34 : f32 to vector<1000x128xf32>
    %select_n3A_38 = arith.select %broadcast_in_dim3A_36, %get3A_33, %broadcast_in_dim3A_37 : vector<1000x128xi1>, vector<1000x128xf32>
    %concatenate3A = tpu.concatenate %mul3A_10, %select_n3A, %select_n3A_38, %sqrt3A in 1 : vector<1000x128xf32>, vector<1000x128xf32>, vector<1000x128xf32>, vector<1000x128xf32> -> vector<1000x512xf32>
    %add3A_39 = arith.constant 1.000000e+00 : f32
    %add3A_40 = vector.broadcast %add3A_39 : f32 to vector<1000x1xf32>
    %add3A_41 = arith.addf %get3A_1, %add3A_40 : vector<1000x1xf32>
    %log3A = math.log %add3A_41 : vector<1000x1xf32>
    %mul3A_42 = arith.constant 4.000000e-01 : f32
    %mul3A_43 = vector.broadcast %mul3A_42 : f32 to vector<1000x1xf32>
    %mul3A_44 = arith.mulf %log3A, %mul3A_43 : vector<1000x1xf32>
    %div3A_45 = arith.constant 2.500000e+00 : f32
    %div3A_46 = vector.broadcast %div3A_45 : f32 to vector<1000x1xf32>
    %div3A_47 = arith.divf %div3A_46, %log3A : vector<1000x1xf32>
    %get3A_48 = arith.constant 0 : index
    %get3A_49 = arith.constant 0 : index
    %get3A_50 = vector.load %arg7[%get3A_48, %get3A_49] : memref<1000x128xf32, #tpu.memory_space<vmem>>, vector<1000x128xf32>
    %mul3A_51 = vector.broadcast %mul3A_44 : vector<1000x1xf32> to vector<1000x512xf32>
    %mul3A_52 = arith.mulf %concatenate3A, %mul3A_51 : vector<1000x512xf32>
    %mul3A_53 = vector.broadcast %div3A_47 : vector<1000x1xf32> to vector<1000x512xf32>
    %mul3A_54 = arith.mulf %concatenate3A, %mul3A_53 : vector<1000x512xf32>
    %concatenate3A_55 = tpu.concatenate %get3A_50, %concatenate3A, %mul3A_52, %mul3A_54 in 1 : vector<1000x128xf32>, vector<1000x512xf32>, vector<1000x512xf32>, vector<1000x512xf32> -> vector<1000x1664xf32>
    %get3A_56 = arith.constant 0 : index
    %get3A_57 = arith.constant 0 : index
    %get3A_58 = vector.load %arg9[%get3A_56, %get3A_57] : memref<1664x128xf32, #tpu.memory_space<vmem>>, vector<1664x128xf32>
    %dot_general3A = arith.constant dense<0.000000e+00> : vector<1000x128xf32>
    %dot_general3A_59 = tpu.matmul %concatenate3A_55, %get3A_58, %dot_general3A {dimension_numbers = #tpu.dot_dimension_numbers<[1], [0], [0], [1], [0, 0, 1, 1], [], []>, transpose_lhs_hint = false} : vector<1000x1664xf32>, vector<1664x128xf32>, vector<1000x128xf32> -> vector<1000x128xf32>
    %get3A_60 = arith.constant 0 : index
    %get3A_61 = arith.constant 0 : index
    %get3A_62 = vector.load %arg10[%get3A_60, %get3A_61] : memref<1x128xf32, #tpu.memory_space<vmem>>, vector<1x128xf32>
    %add3A_63 = vector.broadcast %get3A_62 : vector<1x128xf32> to vector<1000x128xf32>
    %add3A_64 = arith.addf %dot_general3A_59, %add3A_63 : vector<1000x128xf32>
    %swap3A = arith.constant 0 : index
    %swap3A_65 = arith.constant 0 : index
    %swap3A_66 = vector.load %arg11[%swap3A, %swap3A_65] : memref<1000x128xf32, #tpu.memory_space<vmem>>, vector<1000x128xf32>
    tpu.vector_store %arg11[%swap3A, %swap3A_65], %add3A_64 {strides = array<i32>} : memref<1000x128xf32, #tpu.memory_space<vmem>>, vector<1000x128xf32>,
    %get3A_67 = arith.constant 0 : index
    %get3A_68 = arith.constant 0 : index
    %get3A_69 = vector.load %arg8[%get3A_67, %get3A_68] : memref<1000x2xi32, #tpu.memory_space<vmem>>, vector<1000x2xi32>
    %slice3A = vector.extract_strided_slice %get3A_69 {offsets = [0, 0], sizes = [1000, 1], strides = [1, 1]} : vector<1000x2xi32> to vector<1000x1xi32>
    %squeeze3A = vector.shape_cast %slice3A : vector<1000x1xi32> to vector<1000xi32>
    %slice3A_70 = vector.extract_strided_slice %get3A_69 {offsets = [0, 1], sizes = [1000, 1], strides = [1, 1]} : vector<1000x2xi32> to vector<1000x1xi32>
    %squeeze3A_71 = vector.shape_cast %slice3A_70 : vector<1000x1xi32> to vector<1000xi32>
    %lt3A = arith.constant 1000 : i32
    %lt3A_72 = vector.broadcast %lt3A : i32 to vector<1000xi32>
    %lt3A_73 = arith.cmpi slt, %squeeze3A_71, %lt3A_72 : vector<1000xi32>
    %convert_element_type3A = arith.extui %lt3A_73 : vector<1000xi1> to vector<1000xi32>
    %convert_element_type3A_74 = arith.sitofp %convert_element_type3A : vector<1000xi32> to vector<1000xf32>
    %broadcast_in_dim3A_75 = vector.shape_cast %squeeze3A : vector<1000xi32> to vector<1000x1xi32>
    %iota3A = tpu.iota {dimensions = array<i32: 1>} : vector<1000x8xi32>
    %eq3A = vector.broadcast %broadcast_in_dim3A_75 : vector<1000x1xi32> to vector<1000x8xi32>
    %eq3A_76 = arith.cmpi eq, %eq3A, %iota3A : vector<1000x8xi32>
    %convert_element_type3A_77 = arith.extui %eq3A_76 : vector<1000x8xi1> to vector<1000x8xi32>
    %convert_element_type3A_78 = arith.sitofp %convert_element_type3A_77 : vector<1000x8xi32> to vector<1000x8xf32>
    %broadcast_in_dim3A_79 = vector.shape_cast %convert_element_type3A_74 : vector<1000xf32> to vector<1000x1xf32>
    %mul3A_80 = vector.broadcast %broadcast_in_dim3A_79 : vector<1000x1xf32> to vector<1000x128xf32>
    %mul3A_81 = arith.mulf %add3A_64, %mul3A_80 : vector<1000x128xf32>
    %dot_general3A_82 = arith.constant dense<0.000000e+00> : vector<8x128xf32>
    %dot_general3A_83 = tpu.matmul %convert_element_type3A_78, %mul3A_81, %dot_general3A_82 {dimension_numbers = #tpu.dot_dimension_numbers<[0], [0], [1], [1], [0, 1, 1, 1], [], []>, transpose_lhs_hint = false} : vector<1000x8xf32>, vector<1000x128xf32>, vector<8x128xf32> -> vector<8x128xf32>
    %broadcast_in_dim3A_84 = vector.shape_cast %convert_element_type3A_74 : vector<1000xf32> to vector<1000x1xf32>
    %broadcast_in_dim3A_85 = vector.shape_cast %broadcast_in_dim3A_84 : vector<1000x1xf32> to vector<1000x1xf32>
    %broadcast_in_dim3A_86 = vector.broadcast %broadcast_in_dim3A_85 : vector<1000x1xf32> to vector<1000x128xf32>
    %dot_general3A_87 = arith.constant dense<0.000000e+00> : vector<8x128xf32>
    %dot_general3A_88 = tpu.matmul %convert_element_type3A_78, %broadcast_in_dim3A_86, %dot_general3A_87 {dimension_numbers = #tpu.dot_dimension_numbers<[0], [0], [1], [1], [0, 1, 1, 1], [], []>, transpose_lhs_hint = false} : vector<1000x8xf32>, vector<1000x128xf32>, vector<8x128xf32> -> vector<8x128xf32>
    %eq3A_89 = arith.constant 0 : i32
    %eq3A_90 = arith.cmpi eq, %arg0, %eq3A_89 : i32
    %convert_element_type3A_91 = arith.extui %eq3A_90 : i1 to i32
    %cond3A = arith.constant 0 : i32
    %cond3A_92 = arith.cmpi ne, %convert_element_type3A_91, %cond3A : i32
    scf.if %cond3A_92 {
      %broadcast_in_dim3A_107 = arith.constant 0.000000e+00 : f32
      %broadcast_in_dim3A_108 = vector.broadcast %broadcast_in_dim3A_107 : f32 to vector<8x128xf32>
      %swap3A_109 = arith.constant 0 : index
      %swap3A_110 = arith.constant 0 : index
      %swap3A_111 = vector.load %arg12[%swap3A_109, %swap3A_110] : memref<8x128xf32, #tpu.memory_space<vmem>>, vector<8x128xf32>
      tpu.vector_store %arg12[%swap3A_109, %swap3A_110], %broadcast_in_dim3A_108 {strides = array<i32>} : memref<8x128xf32, #tpu.memory_space<vmem>>, vector<8x128xf32>,
      %broadcast_in_dim3A_112 = arith.constant 0.000000e+00 : f32
      %broadcast_in_dim3A_113 = vector.broadcast %broadcast_in_dim3A_112 : f32 to vector<8x128xf32>
      %swap3A_114 = arith.constant 0 : index
      %swap3A_115 = arith.constant 0 : index
      %swap3A_116 = vector.load %arg13[%swap3A_114, %swap3A_115] : memref<8x128xf32, #tpu.memory_space<vmem>>, vector<8x128xf32>
      tpu.vector_store %arg13[%swap3A_114, %swap3A_115], %broadcast_in_dim3A_113 {strides = array<i32>} : memref<8x128xf32, #tpu.memory_space<vmem>>, vector<8x128xf32>,
    } else {
    }
    %get3A_93 = arith.constant 0 : index
    %get3A_94 = arith.constant 0 : index
    %get3A_95 = vector.load %arg12[%get3A_93, %get3A_94] : memref<8x128xf32, #tpu.memory_space<vmem>>, vector<8x128xf32>
    %add3A_96 = arith.addf %get3A_95, %dot_general3A_83 : vector<8x128xf32>
    %swap3A_97 = arith.constant 0 : index
    %swap3A_98 = arith.constant 0 : index
    %swap3A_99 = vector.load %arg12[%swap3A_97, %swap3A_98] : memref<8x128xf32, #tpu.memory_space<vmem>>, vector<8x128xf32>
    tpu.vector_store %arg12[%swap3A_97, %swap3A_98], %add3A_96 {strides = array<i32>} : memref<8x128xf32, #tpu.memory_space<vmem>>, vector<8x128xf32>,
    %get3A_100 = arith.constant 0 : index
    %get3A_101 = arith.constant 0 : index
    %get3A_102 = vector.load %arg13[%get3A_100, %get3A_101] : memref<8x128xf32, #tpu.memory_space<vmem>>, vector<8x128xf32>
    %add3A_103 = arith.addf %get3A_102, %dot_general3A_88 : vector<8x128xf32>
    %swap3A_104 = arith.constant 0 : index
    %swap3A_105 = arith.constant 0 : index
    %swap3A_106 = vector.load %arg13[%swap3A_104, %swap3A_105] : memref<8x128xf32, #tpu.memory_space<vmem>>, vector<8x128xf32>
    tpu.vector_store %arg13[%swap3A_104, %swap3A_105], %add3A_103 {strides = array<i32>} : memref<8x128xf32, #tpu.memory_space<vmem>>, vector<8x128xf32>,
    return
  }
  func.func @transform_0(%arg0: i32) -> (i32, i32) {
    %c0_i32 = arith.constant 0 : i32
    %c0_i32_0 = arith.constant 0 : i32
    return %arg0, %c0_i32 : i32, i32
  }
  func.func @transform_1(%arg0: i32) -> (i32, i32) {
    %c0_i32 = arith.constant 0 : i32
    %c0_i32_0 = arith.constant 0 : i32
    return %arg0, %c0_i32 : i32, i32
  }
  func.func @transform_2(%arg0: i32) -> (i32, i32) {
    %c0_i32 = arith.constant 0 : i32
    %c0_i32_0 = arith.constant 0 : i32
    return %arg0, %c0_i32 : i32, i32
  }
  func.func @transform_3(%arg0: i32) -> (i32, i32) {
    %c0_i32 = arith.constant 0 : i32
    %c0_i32_0 = arith.constant 0 : i32
    return %arg0, %c0_i32 : i32, i32
  }
  func.func @transform_4(%arg0: i32) -> (i32, i32) {
    %c0_i32 = arith.constant 0 : i32
    %c0_i32_0 = arith.constant 0 : i32
    return %arg0, %c0_i32 : i32, i32
  }
  func.func @transform_5(%arg0: i32) -> (i32, i32) {
    %c0_i32 = arith.constant 0 : i32
    %c0_i32_0 = arith.constant 0 : i32
    return %arg0, %c0_i32 : i32, i32
  }
  func.func @transform_6(%arg0: i32) -> (i32, i32) {
    %c0_i32 = arith.constant 0 : i32
    %c0_i32_0 = arith.constant 0 : i32
    return %arg0, %c0_i32 : i32, i32
  }
  func.func @transform_7(%arg0: i32) -> (i32, i32) {
    %c0_i32 = arith.constant 0 : i32
    %c0_i32_0 = arith.constant 0 : i32
    return %arg0, %c0_i32 : i32, i32
  }
  func.func @transform_8(%arg0: i32) -> (i32, i32) {
    %c0_i32 = arith.constant 0 : i32
    %c0_i32_0 = arith.constant 0 : i32
    %c0_i32_1 = arith.constant 0 : i32
    return %c0_i32, %c0_i32_0 : i32, i32
  }
  func.func @transform_9(%arg0: i32) -> (i32, i32) {
    %c0_i32 = arith.constant 0 : i32
    %c0_i32_0 = arith.constant 0 : i32
    %c0_i32_1 = arith.constant 0 : i32
    return %c0_i32, %c0_i32_0 : i32, i32
  }
  func.func @transform_10(%arg0: i32) -> (i32, i32) {
    %c0_i32 = arith.constant 0 : i32
    %c0_i32_0 = arith.constant 0 : i32
    return %arg0, %c0_i32 : i32, i32
  }
  func.func @transform_11(%arg0: i32) -> (i32, i32) {
    %c0_i32 = arith.constant 0 : i32
    %c0_i32_0 = arith.constant 0 : i32
    %c0_i32_1 = arith.constant 0 : i32
    return %c0_i32, %c0_i32_0 : i32, i32
  }
  func.func @transform_12(%arg0: i32) -> (i32, i32) {
    %c0_i32 = arith.constant 0 : i32
    %c0_i32_0 = arith.constant 0 : i32
    %c0_i32_1 = arith.constant 0 : i32
    return %c0_i32, %c0_i32_0 : i32, i32
  }
}

module attributes {stable_mosaic.version = 14 : i64} {
  func.func @_prune_body(%arg0: i32, %arg1: memref<1000x128xf32, #tpu.memory_space<vmem>>, %arg2: memref<1000x2xi32, #tpu.memory_space<vmem>>, %arg3: memref<8x128xf32, #tpu.memory_space<vmem>>, %arg4: memref<256x64xf32, #tpu.memory_space<vmem>>, %arg5: memref<1x64xf32, #tpu.memory_space<vmem>>, %arg6: memref<64x128xf32, #tpu.memory_space<vmem>>, %arg7: memref<1x128xf32, #tpu.memory_space<vmem>>, %arg8: memref<1000x128xf32, #tpu.memory_space<vmem>>, %arg9: memref<1000x128xf32, #tpu.memory_space<vmem>>) attributes {dimension_semantics = [#tpu.dimension_semantics<arbitrary>], iteration_bounds = array<i64: 10>, scalar_prefetch = 0 : i64, scratch_operands = 0 : i64, tpu.core_type = #tpu.core_type<tc>, window_params = [{transform_indices = @transform_0, window_bounds = array<i64: 1000, 128>}, {transform_indices = @transform_1, window_bounds = array<i64: 1000, 2>}, {pipeline_mode = #tpu.pipeline_mode<synchronous>, transform_indices = @transform_2, window_bounds = array<i64: 8, 128>}, {pipeline_mode = #tpu.pipeline_mode<synchronous>, transform_indices = @transform_3, window_bounds = array<i64: 256, 64>}, {pipeline_mode = #tpu.pipeline_mode<synchronous>, transform_indices = @transform_4, window_bounds = array<i64: 1, 64>}, {pipeline_mode = #tpu.pipeline_mode<synchronous>, transform_indices = @transform_5, window_bounds = array<i64: 64, 128>}, {pipeline_mode = #tpu.pipeline_mode<synchronous>, transform_indices = @transform_6, window_bounds = array<i64: 1, 128>}, {transform_indices = @transform_7, window_bounds = array<i64: 1000, 128>}, {transform_indices = @transform_8, window_bounds = array<i64: 1000, 128>}]} {
    %get3A = arith.constant 0 : index
    %get3A_0 = arith.constant 0 : index
    %get3A_1 = vector.load %arg1[%get3A, %get3A_0] : memref<1000x128xf32, #tpu.memory_space<vmem>>, vector<1000x128xf32>
    %get3A_2 = arith.constant 0 : index
    %get3A_3 = arith.constant 0 : index
    %get3A_4 = vector.load %arg2[%get3A_2, %get3A_3] : memref<1000x2xi32, #tpu.memory_space<vmem>>, vector<1000x2xi32>
    %slice3A = vector.extract_strided_slice %get3A_4 {offsets = [0, 0], sizes = [1000, 1], strides = [1, 1]} : vector<1000x2xi32> to vector<1000x1xi32>
    %squeeze3A = vector.shape_cast %slice3A : vector<1000x1xi32> to vector<1000xi32>
    %broadcast_in_dim3A = vector.shape_cast %squeeze3A : vector<1000xi32> to vector<1000x1xi32>
    %iota3A = tpu.iota {dimensions = array<i32: 1>} : vector<1000x8xi32>
    %eq3A = vector.broadcast %broadcast_in_dim3A : vector<1000x1xi32> to vector<1000x8xi32>
    %eq3A_5 = arith.cmpi eq, %eq3A, %iota3A : vector<1000x8xi32>
    %convert_element_type3A = arith.extui %eq3A_5 : vector<1000x8xi1> to vector<1000x8xi32>
    %convert_element_type3A_6 = arith.sitofp %convert_element_type3A : vector<1000x8xi32> to vector<1000x8xf32>
    %get3A_7 = arith.constant 0 : index
    %get3A_8 = arith.constant 0 : index
    %get3A_9 = vector.load %arg3[%get3A_7, %get3A_8] : memref<8x128xf32, #tpu.memory_space<vmem>>, vector<8x128xf32>
    %dot_general3A = arith.constant dense<0.000000e+00> : vector<1000x128xf32>
    %dot_general3A_10 = tpu.matmul %convert_element_type3A_6, %get3A_9, %dot_general3A {dimension_numbers = #tpu.dot_dimension_numbers<[1], [0], [0], [1], [0, 0, 1, 1], [], []>, transpose_lhs_hint = false} : vector<1000x8xf32>, vector<8x128xf32>, vector<1000x128xf32> -> vector<1000x128xf32>
    %concatenate3A = tpu.concatenate %dot_general3A_10, %get3A_1 in 1 : vector<1000x128xf32>, vector<1000x128xf32> -> vector<1000x256xf32>
    %get3A_11 = arith.constant 0 : index
    %get3A_12 = arith.constant 0 : index
    %get3A_13 = vector.load %arg4[%get3A_11, %get3A_12] : memref<256x64xf32, #tpu.memory_space<vmem>>, vector<256x64xf32>
    %dot_general3A_14 = arith.constant dense<0.000000e+00> : vector<1000x64xf32>
    %dot_general3A_15 = tpu.matmul %concatenate3A, %get3A_13, %dot_general3A_14 {dimension_numbers = #tpu.dot_dimension_numbers<[1], [0], [0], [1], [0, 0, 1, 1], [], []>, transpose_lhs_hint = false} : vector<1000x256xf32>, vector<256x64xf32>, vector<1000x64xf32> -> vector<1000x64xf32>
    %get3A_16 = arith.constant 0 : index
    %get3A_17 = arith.constant 0 : index
    %get3A_18 = vector.load %arg5[%get3A_16, %get3A_17] : memref<1x64xf32, #tpu.memory_space<vmem>>, vector<1x64xf32>
    %add3A = vector.broadcast %get3A_18 : vector<1x64xf32> to vector<1000x64xf32>
    %add3A_19 = arith.addf %dot_general3A_15, %add3A : vector<1000x64xf32>
    %max3A = arith.constant 0.000000e+00 : f32
    %max3A_20 = vector.broadcast %max3A : f32 to vector<1000x64xf32>
    %max3A_21 = arith.maximumf %add3A_19, %max3A_20 : vector<1000x64xf32>
    %get3A_22 = arith.constant 0 : index
    %get3A_23 = arith.constant 0 : index
    %get3A_24 = vector.load %arg6[%get3A_22, %get3A_23] : memref<64x128xf32, #tpu.memory_space<vmem>>, vector<64x128xf32>
    %dot_general3A_25 = arith.constant dense<0.000000e+00> : vector<1000x128xf32>
    %dot_general3A_26 = tpu.matmul %max3A_21, %get3A_24, %dot_general3A_25 {dimension_numbers = #tpu.dot_dimension_numbers<[1], [0], [0], [1], [0, 0, 1, 1], [], []>, transpose_lhs_hint = false} : vector<1000x64xf32>, vector<64x128xf32>, vector<1000x128xf32> -> vector<1000x128xf32>
    %get3A_27 = arith.constant 0 : index
    %get3A_28 = arith.constant 0 : index
    %get3A_29 = vector.load %arg7[%get3A_27, %get3A_28] : memref<1x128xf32, #tpu.memory_space<vmem>>, vector<1x128xf32>
    %add3A_30 = vector.broadcast %get3A_29 : vector<1x128xf32> to vector<1000x128xf32>
    %add3A_31 = arith.addf %dot_general3A_26, %add3A_30 : vector<1000x128xf32>
    %mul3A = arith.constant 1.000000e+00 : f32
    %mul3A_32 = vector.broadcast %mul3A : f32 to vector<1000x128xf32>
    %mul3A_33 = arith.mulf %add3A_31, %mul3A_32 : vector<1000x128xf32>
    %logistic3A = arith.negf %mul3A_33 : vector<1000x128xf32>
    %logistic3A_34 = math.exp %logistic3A : vector<1000x128xf32>
    %logistic3A_35 = arith.constant 1.000000e+00 : f32
    %logistic3A_36 = vector.broadcast %logistic3A_35 : f32 to vector<1000x128xf32>
    %logistic3A_37 = arith.addf %logistic3A_36, %logistic3A_34 : vector<1000x128xf32>
    %logistic3A_38 = arith.divf %logistic3A_36, %logistic3A_37 : vector<1000x128xf32>
    %swap3A = arith.constant 0 : index
    %swap3A_39 = arith.constant 0 : index
    %swap3A_40 = vector.load %arg9[%swap3A, %swap3A_39] : memref<1000x128xf32, #tpu.memory_space<vmem>>, vector<1000x128xf32>
    tpu.vector_store %arg9[%swap3A, %swap3A_39], %logistic3A_38 {strides = array<i32>} : memref<1000x128xf32, #tpu.memory_space<vmem>>, vector<1000x128xf32>,
    %mul3A_41 = arith.mulf %logistic3A_38, %get3A_1 : vector<1000x128xf32>
    %swap3A_42 = arith.constant 0 : index
    %swap3A_43 = arith.constant 0 : index
    %swap3A_44 = vector.load %arg8[%swap3A_42, %swap3A_43] : memref<1000x128xf32, #tpu.memory_space<vmem>>, vector<1000x128xf32>
    tpu.vector_store %arg8[%swap3A_42, %swap3A_43], %mul3A_41 {strides = array<i32>} : memref<1000x128xf32, #tpu.memory_space<vmem>>, vector<1000x128xf32>,
    return
  }
  func.func @transform_0(%arg0: i32) -> (i32, i32) {
    %c0_i32 = arith.constant 0 : i32
    %c0_i32_0 = arith.constant 0 : i32
    return %arg0, %c0_i32 : i32, i32
  }
  func.func @transform_1(%arg0: i32) -> (i32, i32) {
    %c0_i32 = arith.constant 0 : i32
    %c0_i32_0 = arith.constant 0 : i32
    return %arg0, %c0_i32 : i32, i32
  }
  func.func @transform_2(%arg0: i32) -> (i32, i32) {
    %c0_i32 = arith.constant 0 : i32
    %c0_i32_0 = arith.constant 0 : i32
    %c0_i32_1 = arith.constant 0 : i32
    return %c0_i32, %c0_i32_0 : i32, i32
  }
  func.func @transform_3(%arg0: i32) -> (i32, i32) {
    %c0_i32 = arith.constant 0 : i32
    %c0_i32_0 = arith.constant 0 : i32
    %c0_i32_1 = arith.constant 0 : i32
    return %c0_i32, %c0_i32_0 : i32, i32
  }
  func.func @transform_4(%arg0: i32) -> (i32, i32) {
    %c0_i32 = arith.constant 0 : i32
    %c0_i32_0 = arith.constant 0 : i32
    %c0_i32_1 = arith.constant 0 : i32
    return %c0_i32, %c0_i32_0 : i32, i32
  }
  func.func @transform_5(%arg0: i32) -> (i32, i32) {
    %c0_i32 = arith.constant 0 : i32
    %c0_i32_0 = arith.constant 0 : i32
    %c0_i32_1 = arith.constant 0 : i32
    return %c0_i32, %c0_i32_0 : i32, i32
  }
  func.func @transform_6(%arg0: i32) -> (i32, i32) {
    %c0_i32 = arith.constant 0 : i32
    %c0_i32_0 = arith.constant 0 : i32
    %c0_i32_1 = arith.constant 0 : i32
    return %c0_i32, %c0_i32_0 : i32, i32
  }
  func.func @transform_7(%arg0: i32) -> (i32, i32) {
    %c0_i32 = arith.constant 0 : i32
    %c0_i32_0 = arith.constant 0 : i32
    return %arg0, %c0_i32 : i32, i32
  }
  func.func @transform_8(%arg0: i32) -> (i32, i32) {
    %c0_i32 = arith.constant 0 : i32
    %c0_i32_0 = arith.constant 0 : i32
    return %arg0, %c0_i32 : i32, i32
  }
}

</mosaic_0001>

<sc_bundles>
// kernel: kernel.11.cloned.1.call-start
scs
__scs_entry_jumppad:
0x0: {  	(pc) =	sbr.rel $0x88, $3  }
0x1: {  	(tag) =	ssettag $0x0;
	lr =	simm.s32 $0x1  }
0x2: {  	[smem:$0x3F92] =	sst lr;
	_ =	strace $0xD0000000  }
0x3: {  	_ = 	snop  }
0x4: {  	_ = 	snop  }
0x5: {  	_ = 	snop  }
0x6: {  	_ = 	snop  }
0x7: {  	_ = 	snop  }
__scs_overlays_trampoline_lowered:
0x8: {  	[smem:$0x3FA1] =	sst s0  }
0x9: {  	[smem:$0x3FA2] =	sst s1  }
0xa: {  	[smem:$0x3FA3] =	sst s2  }
0xb: {  	[smem:$0x3FA4] =	sst s3  }
0xc: {  	[smem:$0x3FA5] =	sst s4  }
0xd: {  	[smem:$0x3FA6] =	sst s5  }
0xe: {  	[smem:$0x3FA7] =	sst s6  }
0xf: {  	[smem:$0x3FA8] =	sst s7  }
0x10: {  	[smem:$0x3FA9] =	sst s8  }
0x11: {  	[smem:$0x3FAA] =	sst s9;
	s0 =	simm.s32 @!p0 $0x0  }
0x12: {  	s1 =	sld [smem:$0x3F90];
	s0 =	simm.s32 @p0 $0x1  }
0x13: {  	[smem:$0x3FAB] =	sst s0;
	s0 =	simm.s32 @!p1 $0x0  }
0x14: {  	s2 =	sld [smem:$0x3F8F];
	s0 =	simm.s32 @p1 $0x1  }
0x15: {  	[smem:$0x3FAC] =	sst s0;
	s0 =	simm.s32 @!p2 $0x0  }
0x16: {  	s3 =	sld [smem:$0x3FDB];
	s0 =	simm.s32 @p2 $0x1  }
0x17: {  	s4 =	simm.s32 $0x1BF5;
	[smem:$0x3FAE] =	sst s0  }
0x18: {  	s0 =	sld [smem:$0x3F91];
	_ =	swait.ge [sflag:s4], $0x0  }
0x19: {  	s7 =	sld [smem:$0x3F92]  }
0x1a: {  	s8 =	sadd.s32 $0xFFFFE003, lr  }
0x1b: {  	s9 =	sadd.s32 $0xFFFFFEF7, lr;
	s5 =	simm.s32 $0xFFFFFFFF;
	p2 =	slt.u32 s8, $0xFFFFF086  }
0x1c: {  	p1 =	slt.u32 s9, $0xF7A;
	s5 =	simm.s32 @!p2 $0x0  }
0x1d: {  	s5 =	simm.s32 @p1 $0x1;
	p0 =	seq.s32 s7, s2  }
0x1e: {  	s7 =	smul.u32 @!p0 $0xF7A, s2;
	p2 =	seq.s32 @!p0 s5, $0x0  }
0x1f: {  	s9 =	smul.u32 $0xF7A, s1;
	s8 =	simm.s32 @!p0 $0x1BF5;
	p2 =	por !p2, p0  }
0x20: {  	[sflag:s8] =	ssyncset.s32 @!p0 $0xFFFFF086;
	s6 =	sadd.s32 @!p0 s3, s7;
	s7 =	simm.s32 @!p0 $0x108  }
0x21: {  	s3 =	sadd.s32 s3, s9;
	s6 =	sadd.s32 @!p0 $0x88, s6;
	s7 =	simm.s32 @p2 $0x1082  }
0x22: {  	[simem:s7], [sflag:s8] =	dma.local @!p0 [hbm:s6], $0xF7A  }
0x23: {  	s9 =	sor.u32 $0xD0000000, s2;
	s6 =	simm.s32 $0x108;
	_ =	swait.ge @!p0 [sflag:s8], $0x0  }
0x24: {  	s3 =	sadd.s32 $0x88, s3;
	s6 =	simm.s32 @!p1 $0x1082;
	[sflag:s4] =	ssyncset.s32 $0xFFFFF086  }
0x25: {  	[simem:s6], [sflag:s4] =	dma.local [hbm:s3], $0xF7A  }
0x26: {  	[smem:$0x3F92] =	sst s1;
	(tag) =	ssettag s2;
	_ =	strace s9  }
0x27: {  	s1 =	sld [smem:$0x3FA2]  }
0x28: {  	s2 =	sld [smem:$0x3FA3]  }
0x29: {  	s4 =	sld [smem:$0x3FA5]  }
0x2a: {  	p0 =	seq.s32 s5, $0x0;
	s5 =	sld [smem:$0x3FA6]  }
0x2b: {  	s6 =	sld [smem:$0x3FA7]  }
0x2c: {  	s7 =	sld [smem:$0x3FA8]  }
0x2d: {  	s3 =	simm.s32 $0x108;
	s8 =	sld [smem:$0x3FA9]  }
0x2e: {  	s3 =	simm.s32 @!p0 $0x1082;
	s9 =	sld [smem:$0x3FAA]  }
0x2f: {  	lr =	sadd.s32 s0, s3;
	s0 =	sld [smem:$0x3FA1]  }
0x30: {  	s3 =	sld [smem:$0x3FA4]  }
0x31: {  	[smem:$0x3FAD] =	sst s10  }
0x32: {  	s10 =	sld [smem:$0x3FAB];
	_ =	sdelay $0x3  }
0x33: {  	p0 =	seq.s32 s10, $0x1;
	s10 =	sld [smem:$0x3FAD];
	_ =	sdelay $0x3  }
0x34: {  	[smem:$0x3FAD] =	sst s10  }
0x35: {  	s10 =	sld [smem:$0x3FAC];
	_ =	sdelay $0x3  }
0x36: {  	p1 =	seq.s32 s10, $0x1;
	s10 =	sld [smem:$0x3FAD];
	_ =	sdelay $0x3  }
0x37: {  	[smem:$0x3FAD] =	sst s10  }
0x38: {  	s10 =	sld [smem:$0x3FAE]  }
0x39: {  	_ = 	snop;
	(pc) =	sbr.ind lr, $3  }
0x3a: {  	_ = 	snop  }
0x3b: {  	_ = 	snop  }
0x3c: {  	p2 =	seq.s32 s10, $0x1;
	s10 =	sld [smem:$0x3FAD]  }
0x3d: {  	_ =	shalt  }
0x3e: {  	_ =	shalt  }
0x3f: {  	_ =	shalt  }
0x40: {  	_ =	shalt  }
0x41: {  	_ =	shalt  }
0x42: {  	_ =	shalt  }
0x43: {  	_ =	shalt  }
0x44: {  	_ =	shalt  }
0x45: {  	_ =	shalt  }
0x46: {  	_ =	shalt  }
0x47: {  	_ =	shalt  }
0x48: {  	_ =	shalt  }
0x49: {  	_ =	shalt  }
0x4a: {  	_ =	shalt  }
0x4b: {  	_ =	shalt  }
0x4c: {  	_ =	shalt  }
0x4d: {  	_ =	shalt  }
0x4e: {  	_ =	shalt  }
0x4f: {  	_ =	shalt  }
0x50: {  	_ =	shalt  }
0x51: {  	_ =	shalt  }
0x52: {  	_ =	shalt  }
0x53: {  	_ =	shalt  }
0x54: {  	_ =	shalt  }
0x55: {  	_ =	shalt  }
0x56: {  	_ =	shalt  }
0x57: {  	_ =	shalt  }
0x58: {  	_ =	shalt  }
0x59: {  	_ =	shalt  }
0x5a: {  	_ =	shalt  }
0x5b: {  	_ =	shalt  }
0x5c: {  	_ =	shalt  }
0x5d: {  	_ =	shalt  }
0x5e: {  	_ =	shalt  }
0x5f: {  	_ =	shalt  }
0x60: {  	_ =	shalt  }
0x61: {  	_ =	shalt  }
0x62: {  	_ =	shalt  }
0x63: {  	_ =	shalt  }
0x64: {  	_ =	shalt  }
0x65: {  	_ =	shalt  }
0x66: {  	_ =	shalt  }
0x67: {  	_ =	shalt  }
0x68: {  	_ =	shalt  }
0x69: {  	_ =	shalt  }
0x6a: {  	_ =	shalt  }
0x6b: {  	_ =	shalt  }
0x6c: {  	_ =	shalt  }
0x6d: {  	_ =	shalt  }
0x6e: {  	_ =	shalt  }
0x6f: {  	_ =	shalt  }
0x70: {  	_ =	shalt  }
0x71: {  	_ =	shalt  }
0x72: {  	_ =	shalt  }
0x73: {  	_ =	shalt  }
0x74: {  	_ =	shalt  }
0x75: {  	_ =	shalt  }
0x76: {  	_ =	shalt  }
0x77: {  	_ =	shalt  }
0x78: {  	_ =	shalt  }
0x79: {  	_ =	shalt  }
0x7a: {  	_ =	shalt  }
0x7b: {  	_ =	shalt  }
0x7c: {  	_ =	shalt  }
0x7d: {  	_ =	shalt  }
0x7e: {  	_ =	shalt  }
0x7f: {  	_ =	shalt  }
0x80: {  	_ =	shalt  }
0x81: {  	_ =	shalt  }
0x82: {  	_ =	shalt  }
0x83: {  	_ =	shalt  }
0x84: {  	_ =	shalt  }
0x85: {  	_ =	shalt  }
0x86: {  	_ =	shalt  }
0x87: {  	_ =	shalt  }
.Lfunc_end0:
.L_simem_size_0:
called_computation.1_lowered:
.L_overlay_start_0:
0x88: {  	s2 =	sld [smem:$0x3FD9]  }
0x89: {  	s3 =	sld [smem:$0x3FFE];
	_ =	sdelay $0x1  }
0x8a: {  	s1 =	srdreg.scid  }
0x8b: {  	s0 =	sand.u32 $0x1, s1  }
0x8c: {  	s14 =	sshll.u32 s0, $0xA;
	s2 =	sadd.s32 s3, s2  }
0x8d: {  	s2 =	sadd.s32 s2, s14  }
0x8e: {  	[smem:$0x3FB9] =	sst s2  }
0x8f: {  	_ = 	snop  }
0x90: {  	s2 =	sld [smem:$0x3FD0];
	_ =	sdelay $0x2  }
0x91: {  	s15 =	simm.s32 $0xA;
	s4 =	simm.s32 $0x10  }
0x92: {  	[smem:s4], [sflag:s15] =	dma.local [hbm:s2], $0x1  }
0x93: {  	_ =	swait.eq [sflag:s15], $0x1  }
0x94: {  	[sflag:s15] =	ssyncset.done $0x0  }
0x95: {  	[sflag:s15] =	ssyncadd.s32 $0xFFFFFFFF  }
0x96: {  	s16 =	sld [smem:$0x11];
	(tm) =	ssettm $0x1  }
0x97: {  	s17 =	sld [smem:$0x3FFB];
	_ =	sdelay $0x3  }
0x98: {  	_ =	strace s17  }
0x99: {  	s3 =	sld [smem:$0x3FFC];
	_ =	sdelay $0x3  }
0x9a: {  	_ =	strace s3  }
0x9b: {  	s3 =	sld [smem:$0x3FFD];
	_ =	sdelay $0x3  }
0x9c: {  	_ =	strace s3  }
0x9d: {  	_ =	strace $0x8FFFFFFF  }
0x9e: {  	s18 =	sld [smem:$0x3FDB];
	_ =	sdelay $0x1  }
0x9f: {  	s19 =	simm.s32 $_scs_section_size  }
0xa0: {  	s5 =	simm.s32 $_size__tile_overlayer_lowered;
	s6 =	simm.s32 $_tile_overlayer_lowered  }
0xa1: {  	s22 =	simm.s32 $0x1BFF;
	s21 =	sshll.u32 s6, $0x1;
	s3 =	sadd.s32 s19, s18  }
0xa2: {  	s7 =	simm.s32 $0x0;
	s20 =	sshll.u32 s5, $0x1;
	s5 =	sadd.s32 s21, s3  }
0xa3: {  	[timem:s7], [sflag:s22] =	dma.local [hbm:s5], s20  }
0xa4: {  	_ =	swait.ge [sflag:s22], s20  }
0xa5: {  	s4 =	ssub.s32 $0x0, s20;
	[sflag:s22] =	ssyncset.done $0x0  }
0xa6: {  	[sflag:s22] =	ssyncadd.s32 s4;
	_ =	sdelay $0x1  }
0xa7: {  	s23 =	simm.s32 $0x1B8B  }
0xa8: {  	_ =	swait.ge [sflag:s23], $0x1  }
0xa9: {  	[sflag:s23] =	ssyncset.done $0x0  }
0xaa: {  	s25 =	simm.s32 $0x1B8E;
	s24 =	sld [smem:$0x3FFE];
	[sflag:s23] =	ssyncadd.s32 $0xFFFFFFFF  }
0xab: {  	s26 =	simm.s32 $execute0_lowered;
	[smem:$0x3FD2] =	sst s25  }
0xac: {  	s5 =	sshll.u32 s26, $0x1;
	_ =	strace $0x80000049;
	[dreg:$0x1] =	wrdreg $0xFFFFFFFF  }
0xad: {  	s28 =	simm.s32 $_size_execute0_lowered;
	s3 =	sadd.s32 s3, s5;
	[dreg:$0x0] =	wrdreg $0x0  }
0xae: {  	s5 =	sshll.u32 s28, $0x1;
	[dreg:$0x2] =	wrdreg s3  }
0xaf: {  	[dreg:$0x3] =	wrdreg s5  }
0xb0: {  	[dreg:$0x4] =	wrdreg $0xC0  }
0xb1: {  	_ =	task [dreg:s7], $0x5FFFF  }
0xb2: {  	[dreg:$0x1] =	wrdreg $0xFFFFFFFF  }
0xb3: {  	[dreg:$0x0] =	wrdreg $0x60  }
0xb4: {  	[dreg:$0x2] =	wrdreg s24  }
0xb5: {  	[dreg:$0x3] =	wrdreg s16  }
0xb6: {  	[dreg:$0x4] =	wrdreg $0x51000  }
0xb7: {  	[dreg:$0x5] =	wrdreg $0x9  }
0xb8: {  	_ =	task.clear_ibuf [dreg:s7], $0x6FFFF;
	_ =	strace $0x90000049  }
0xb9: {  	s29 =	simm.s32 $0x9;
	_ =	strace $0x8000004B  }
0xba: {  	_ =	swait.ge [sflag:s29], $0x1  }
0xbb: {  	[sflag:s29] =	ssyncadd.s32 $0xFFFFFFFF  }
0xbc: {  	_ =	strace $0x9000004B  }
0xbd: {  	_ =	sfence  }
0xbe: {  	s30 =	sld [smem:$0x0];
	_ =	sdelay $0x2  }
0xbf: {  	s31 =	sshll.u32 s1, $0xD;
	s1 =	sshrl.u32 s1, $0x2  }
0xc0: {  	s3 =	sand.u32 $0x4000, s31;
	s1 =	sadd.s32 s1, s30  }
0xc1: {  	s0 =	sor.u32 s3, s0;
	s1 =	sshll.u32 s1, $0x11  }
0xc2: {  	s0 =	sor.u32 s1, s0  }
0xc3: {  	s0 =	sadd.s32 $0x8F2B, s0  }
0xc4: {  	[sflag:s0] =	ssyncadd.remote.s32 $0x1  }
0xc5: {  	_ =	sfence.sel $0xFFFF  }
0xc6: {  	[dreg:$0x0] =	wrdreg $0xFFFFFFFF;
	(pc) =	sbr.abs _section_cstart, $3  }
0xc7: {  	[dreg:$0x1] =	wrdreg $0xFFFFFFFF  }
0xc8: {  	_ =	task.clear_ibuf [dreg:s7], $0x2FFFF;
	_ =	strace $0x9FFFFFFF  }
0xc9: {  	(tm) =	ssettm $0x7FFFFFFF  }
tec
execute0_lowered:
.L_overlay_start_1:
0x0: {  	(tag) =	ssettag $0x1  }
0x1: {  	s0 =	rddreg [dreg:$0x0]  }
0x2: {  	s1 =	rddreg [dreg:$0x1]  }
0x3: {  	s2 =	rddreg [dreg:$0x2];
	s3 =	simm.s32 $0x0;
	s5 =	srdreg.scid  }
0x4: {  	s18 =	stileid.u32;
	s31 =	simm.s32 $0x2;
	s4 =	sadd.s32 $0x515E00, s0  }
0x5: {  	[smem:$0x7FF] =	sst s3;
	s6 =	sadd.s32 $0x9F7E00, s0;
	s9 =	smul.u32 $0x4E20, s18  }
0x6: {  	s7 =	sand.u32 $0x1, s5;
	s8 =	sadd.s32 $0x2E00, s0;
	s12 =	smul.u32 $0x50000, s18  }
0x7: {  	s10 =	sadd.s32 $0xCC00, s0;
	s13 =	sadd.s32 $0x33E00, s0;
	s15 =	smul.u32 $0x280, s18  }
0x8: {  	s19 =	sadd.s32 $0x5AE00, s0;
	s0 =	sadd.s32 $0x33C00, s0;
	s25 =	smul.u32 $0x4E200, s18  }
0x9: {  	_ =	strace $0x8000004A;
	s5 =	ssub.s32 $0x2, s7;
	[dreg:$0x5] =	wrdreg s19  }
0xa: {  	p0 =	seq.s32 s7, $0x1;
	p1 =	seq.s32 s7, $0x0;
	[dreg:$0x6] =	wrdreg s0  }
0xb: {  	s11 =	sshrl.u32 s5, $0x1;
	s9 =	sadd.s32 $0x4E00, s9;
	s16 =	sshrl.u32 s12, $0x2  }
0xc: {  	s21 =	sadd.s32 $0x80, s15;
	s26 =	sadd.s32 $0x100, s15;
	s31 =	simm.s32 @!p1 $0x1  }
0xd: {  	s11 =	ssub.s32 s5, s11;
	s17 =	sshrl.u32 s9, $0x3;
	s5 =	sadd.s32 s16, s2  }
0xe: {  	s9 =	sshll.u32 s9, $0x4;
	s14 =	sshll.u32 s21, $0x7;
	s16 =	smov.u32 s4  }
0xf: {  	s0 =	sshll.u32 s21, $0x4;
	s21 =	smul.u32 $0x9C4, s18;
	s12 =	sadd.s32 s8, s17  }
0x10: {  	s20 =	smax.u32 s11, $0x1;
	s11 =	sadd.s32 $0x4000, s5;
	s14 =	sadd.s32 s14, s2  }
0x11: {  	s17 =	sadd.s32 $0x200, s15;
	s16 =	smov.u32 @p0 s6;
	[dreg:$0x4] =	wrdreg s12  }
0x12: {  	s6 =	smov.u32 @p1 s4;
	p0 =	seq.s32 s18, $0xF;
	[dreg:$0x7] =	wrdreg s20  }
0x13: {  	s12 =	smul.u32 $0x2800, s18;
	[dreg:$0x8] =	wrdreg s14;
	s22 =	sshll.u32 s17, $0x4  }
0x14: {  	s24 =	sadd.s32 s6, s9;
	s20 =	sshll.u32 s26, $0x7;
	s14 =	sadd.s32 s25, s16  }
0x15: {  	s6 =	sshll.u32 s26, $0x4;
	s16 =	sadd.s32 s21, s8;
	p2 =	seq.s32 @p0 s7, $0x0  }
0x16: {  	p4 =	seq.s32 @!p0 s7, $0x0;
	s7 =	sadd.s32 $0x134000, s2;
	s23 =	sadd.s32 s13, s22  }
0x17: {  	[dreg:$0xa] =	wrdreg s24;
	s19 =	sadd.s32 s10, s22;
	s13 =	smov.u32 @p1 s10  }
0x18: {  	s9 =	sadd.s32 s20, s2;
	s22 =	sadd.s32 $0x180, s15;
	s24 =	sshll.u32 s17, $0x7  }
0x19: {  	p1 =	por !p2, !p0;
	p2 =	por p2, !p0;
	[dreg:$0x9] =	wrdreg s23  }
0x1a: {  	p3 =	por !p4, p0;
	p4 =	por p4, p0;
	[dreg:$0xb] =	wrdreg s19  }
0x1b: {  	s10 =	simm.s32 $0x4080;
	[dreg:$0xc] =	wrdreg s9;
	s23 =	sshll.u32 s22, $0x7  }
0x1c: {  	s25 =	sshll.u32 s22, $0x4;
	s8 =	sadd.s32 s24, s2;
	s26 =	sadd.s32 s13, s12  }
0x1d: {  	s20 =	sadd.s32 s13, s0;
	s21 =	sadd.s32 s13, s6;
	s24 =	sadd.s32 $0x26000, s13  }
0x1e: {  	s0 =	sadd.s32 $0x8000, s5;
	s6 =	sadd.s32 $0x130000, s2;
	s9 =	simm.s32 $0x80  }
0x1f: {  	s12 =	simm.s32 $0x0;
	s4 =	sadd.s32 s23, s2;
	[dreg:$0xe] =	wrdreg s8  }
0x20: {  	[dreg:$0xf] =	wrdreg s26;
	s22 =	sadd.s32 s13, s25;
	s23 =	sadd.s32 $0x25800, s13  }
0x21: {  	s25 =	sadd.s32 $0x26800, s13;
	s26 =	sshrl.u32 @!p0 s11, $0x3;
	s28 =	sshrl.u32 @!p0 s0, $0x3  }
0x22: {  	s0 =	sadd.s32 $0xC000, s5;
	s8 =	simm.s32 $0x1;
	s11 =	simm.s32 $0x4100  }
0x23: {  	[dreg:$0xd] =	wrdreg s4;
	s4 =	sadd.s32 $0x10000, s5;
	s29 =	sshrl.u32 @!p0 s0, $0x3  }
0x24: {  	s0 =	sadd.s32 $0x138000, s2;
	s30 =	sshrl.u32 @!p0 s4, $0x3;
	s4 =	sadd.s32 $0x12C000, s2  }
.LBB2_1:
0x25: {  	s13 =	sshrl.u32 @p0 s4, $0x3;
	s15 =	simm.s32 @p0 $0x1FC1  }
0x26: {  	[spmem:s13], [sflag:s15] =	dma.local @p0 [hbm:s1], $0x800  }
0x27: {  	s13 =	simm.s32 @p0 $0x1  }
0x28: {  	_ =	swait.ge @p0 [sflag:s13], $0x800  }
0x29: {  	[sflag:s13] =	ssyncset.done @p0 $0x0  }
0x2a: {  	s17 =	sshrl.u32 @p0 s6, $0x3;
	[sflag:s13] =	ssyncadd.s32 @p0 $0xFFFFF800  }
0x2b: {  	[spmem:s17], [sflag:s15] =	dma.local @p0 [hbm:s1], $0x800  }
0x2c: {  	_ =	swait.ge @p0 [sflag:s13], $0x800  }
0x2d: {  	[sflag:s13] =	ssyncset.done @p0 $0x0  }
0x2e: {  	s17 =	sshrl.u32 @p0 s7, $0x3;
	[sflag:s13] =	ssyncadd.s32 @p0 $0xFFFFF800  }
0x2f: {  	[spmem:s17], [sflag:s15] =	dma.local @p0 [hbm:s1], $0x800  }
0x30: {  	_ =	swait.ge @p0 [sflag:s13], $0x800  }
0x31: {  	[sflag:s13] =	ssyncset.done @p0 $0x0  }
0x32: {  	s17 =	sshrl.u32 @p0 s0, $0x3;
	[sflag:s13] =	ssyncadd.s32 @p0 $0xFFFFF800  }
0x33: {  	[spmem:s17], [sflag:s15] =	dma.local @p0 [hbm:s1], $0x100  }
0x34: {  	s15 =	stileid.u32;
	_ =	swait.ge @p0 [sflag:s13], $0x100  }
0x35: {  	s15 =	sshll.u32 @!p0 s15, $0x6;
	[sflag:s13] =	ssyncset.done @p0 $0x0  }
0x36: {  	[sflag:s13] =	ssyncadd.s32 @p0 $0xFFFFFF00;
	s13 =	sor.u32 @!p0 $0x1C01, s15;
	s15 =	sshrl.u32 @!p0 s5, $0x3  }
0x37: {  	[spmem:s15], [sflag:s13] =	dma.local @!p0 [hbm:s1], $0x800  }
0x38: {  	s15 =	simm.s32 @!p0 $0x1  }
0x39: {  	_ =	swait.ge @!p0 [sflag:s15], $0x800  }
0x3a: {  	[sflag:s15] =	ssyncset.done @!p0 $0x0  }
0x3b: {  	[sflag:s15] =	ssyncadd.s32 @!p0 $0xFFFFF800  }
0x3c: {  	[spmem:s26], [sflag:s13] =	dma.local @!p0 [hbm:s1], $0x800  }
0x3d: {  	_ =	swait.ge @!p0 [sflag:s15], $0x800  }
0x3e: {  	[sflag:s15] =	ssyncset.done @!p0 $0x0  }
0x3f: {  	[sflag:s15] =	ssyncadd.s32 @!p0 $0xFFFFF800  }
0x40: {  	[spmem:s28], [sflag:s13] =	dma.local @!p0 [hbm:s1], $0x800  }
0x41: {  	_ =	swait.ge @!p0 [sflag:s15], $0x800  }
0x42: {  	[sflag:s15] =	ssyncset.done @!p0 $0x0  }
0x43: {  	[sflag:s15] =	ssyncadd.s32 @!p0 $0xFFFFF800  }
0x44: {  	[spmem:s29], [sflag:s13] =	dma.local @!p0 [hbm:s1], $0x800  }
0x45: {  	_ =	swait.ge @!p0 [sflag:s15], $0x800  }
0x46: {  	[sflag:s15] =	ssyncset.done @!p0 $0x0  }
0x47: {  	[sflag:s15] =	ssyncadd.s32 @!p0 $0xFFFFF800  }
0x48: {  	[spmem:s30], [sflag:s13] =	dma.local @!p0 [hbm:s1], $0x800  }
0x49: {  	_ =	swait.ge @!p0 [sflag:s15], $0x800  }
0x4a: {  	[sflag:s15] =	ssyncset.done @!p0 $0x0  }
0x4b: {  	[sflag:s15] =	ssyncadd.s32 @!p0 $0xFFFFF800  }
0x4c: {  	s19 =	sadd.s32 $0x0, s16;
	[bflag:$0x0] =	sbarrier.arrive $0xFFFF  }
0x4d: {  	[tilespmem:s3], [sflag:$0x1] =	stream.linear.gather [hbm4b:s19+s3], $0x80, $0x38;
	[tilespmem:$0x18980] =	vst v63  }
0x4e: {  	_ =	swait.ge [sflag:s8], $0x80  }
0x4f: {  	[sflag:s8] =	ssyncset.done $0x0  }
0x50: {  	[sflag:s8] =	ssyncadd.s32 $0xFFFFFF80  }
0x51: {  	[tilespmem:s9], [sflag:$0x1] =	stream.linear.gather [hbm4b:s14+s3], $0x4000, $0x38;
	[tilespmem:$0x18980] =	vst v63  }
0x52: {  	_ =	swait.ge [sflag:s8], $0x4000  }
0x53: {  	[sflag:s8] =	ssyncset.done $0x0  }
0x54: {  	[sflag:s8] =	ssyncadd.s32 $0xFFFFC000  }
0x55: {  	[spmem:s2] =	stream.indirect.scatter.add.f32 [tilespmem:s9], [sflag:$0x1], $0x80, s3, s9, $0xb8;
	[tilespmem:$0x18980] =	vst v63  }
0x56: {  	s17 =	simm.s32 $0x20;
	_ =	swait.ge [sflag:s8], $0x4000  }
0x57: {  	s13 =	sadd.s32 $0x800, s14;
	s15 =	simm.s32 $0x10;
	[sflag:s8] =	ssyncset.done $0x0  }
.LBB2_2:
0x58: {  	s18 =	sadd.s32 s15, s16  }
0x59: {  	[sflag:s8] =	ssyncadd.s32 $0xFFFFC000;
	s15 =	smov.u32 s17;
	s19 =	sadd.s32 $0x10, s17  }
0x5a: {  	[tilespmem:s3], [sflag:$0x1] =	stream.linear.gather [hbm4b:s18+s3], $0x80, $0x38;
	[tilespmem:$0x18980] =	vst v63  }
0x5b: {  	p5 =	sne.s32 s17, $0x9B0;
	_ =	swait.ge [sflag:s8], $0x80  }
0x5c: {  	[sflag:s8] =	ssyncset.done $0x0  }
0x5d: {  	[sflag:s8] =	ssyncadd.s32 $0xFFFFFF80  }
0x5e: {  	[tilespmem:s9], [sflag:$0x1] =	stream.linear.gather [hbm4b:s13+s3], $0x4000, $0x38;
	[tilespmem:$0x18980] =	vst v63  }
0x5f: {  	_ =	swait.ge [sflag:s8], $0x4000  }
.Ltmp0:
0x60: {  	[sflag:s8] =	ssyncset.done $0x0;
	(pc) =	sbr.rel @p5 .LBB2_2-.Ltmp0, $4  }
0x61: {  	[sflag:s8] =	ssyncadd.s32 $0xFFFFC000  }
0x62: {  	[spmem:s2] =	stream.indirect.scatter.add.f32 [tilespmem:s9], [sflag:$0x1], $0x80, s3, s9, $0xb8;
	[tilespmem:$0x18980] =	vst v63  }
0x63: {  	_ =	swait.ge [sflag:s8], $0x4000  }
0x64: {  	s17 =	smov.u32 s19;
	s13 =	sadd.s32 $0x800, s13;
	[sflag:s8] =	ssyncset.done $0x0  }
0x65: {  	s15 =	sadd.s32 s15, s16;
	[sflag:s8] =	ssyncadd.s32 $0xFFFFC000  }
0x66: {  	[tilespmem:s3], [sflag:$0x1] =	stream.linear.gather [hbm4b:s15+s3], $0x80, $0x38;
	[tilespmem:$0x18980] =	vst v63  }
0x67: {  	_ =	swait.ge [sflag:s8], $0x80  }
0x68: {  	[sflag:s8] =	ssyncset.done $0x0  }
0x69: {  	[sflag:s8] =	ssyncadd.s32 $0xFFFFFF80  }
0x6a: {  	[tilespmem:s9], [sflag:$0x1] =	stream.linear.gather [hbm4b:s13+s3], $0x4000, $0x38;
	[tilespmem:$0x18980] =	vst v63  }
0x6b: {  	_ =	swait.ge [sflag:s8], $0x4000  }
0x6c: {  	[sflag:s8] =	ssyncset.done $0x0  }
0x6d: {  	[sflag:s8] =	ssyncadd.s32 $0xFFFFC000  }
0x6e: {  	[spmem:s2] =	stream.indirect.scatter.add.f32 [tilespmem:s9], [sflag:$0x1], $0x80, s3, s9, $0xb8;
	[tilespmem:$0x18980] =	vst v63  }
0x6f: {  	_ =	swait.ge [sflag:s8], $0x4000  }
0x70: {  	[sflag:s8] =	ssyncset.done $0x0  }
0x71: {  	s15 =	rddreg [dreg:$0x4];
	[sflag:s8] =	ssyncadd.s32 $0xFFFFC000  }
0x72: {  	[tilespmem:s10], [sflag:$0x1] =	stream.linear.gather [hbm4b:s15+s3], $0x20, $0x38;
	[tilespmem:$0x18980] =	vst v63  }
0x73: {  	_ =	swait.ge [sflag:s8], $0x20  }
0x74: {  	[sflag:s8] =	ssyncset.done $0x0  }
0x75: {  	s17 =	rddreg [dreg:$0xa];
	[sflag:s8] =	ssyncadd.s32 $0xFFFFFFE0  }
0x76: {  	[tilespmem:s11], [sflag:$0x1] =	stream.linear.gather [hbm4b:s17+s3], $0x1000, $0x38;
	[tilespmem:$0x18980] =	vst v63  }
0x77: {  	_ =	swait.ge [sflag:s8], $0x1000  }
0x78: {  	[sflag:s8] =	ssyncset.done $0x0  }
0x79: {  	s18 =	simm.s32 $0x20;
	[sflag:s8] =	ssyncadd.s32 $0xFFFFF000  }
0x7a: {  	[spmem:s2] =	stream.indirect.scatter.add.f32 [tilespmem:s11], [sflag:$0x1], $0x80, s10, s18, $0xb8;
	[tilespmem:$0x18980] =	vst v63  }
0x7b: {  	_ =	swait.ge [sflag:s8], $0x1000  }
0x7c: {  	[sflag:s8] =	ssyncset.done $0x0  }
0x7d: {  	[sflag:s8] =	ssyncadd.s32 $0xFFFFF000  }
0x7e: {  	s13 =	simm.s32 @p0 $0x80;
	s15 =	simm.s32 @p0 $0x2;
	[bflag:$0x0] =	sbarrier.arrive $0xFFFF  }
0x7f: {  	[tilespmem:s13], [sflag:$0x2] =	stream.linear.gather @p0 [spmem:s4], $0x4000, $0x38;
	[tilespmem:$0x18980] =	vst v63  }
0x80: {  	_ =	swait.ge @p0 [sflag:s15], $0x4000  }
0x81: {  	[sflag:s15] =	ssyncset.done @p0 $0x0  }
0x82: {  	s17 =	simm.s32 @p0 $0x0;
	[sflag:s15] =	ssyncadd.s32 @p0 $0xFFFFC000  }
0x83: {  	[hbm4b:s23+s17] =	stream.linear.scatter @p0 [tilespmem:s13], [sflag:s31], $0x4000, $0x38;
	[tilespmem:$0x18980] =	vst v63  }
0x84: {  	_ =	swait.ge @p0 [sflag:s31], $0x4000  }
0x85: {  	[sflag:s31] =	ssyncset.done @p0 $0x0  }
0x86: {  	[sflag:s31] =	ssyncadd.s32 @p0 $0xFFFFC000  }
0x87: {  	[tilespmem:s13], [sflag:$0x2] =	stream.linear.gather @p0 [spmem:s6], $0x4000, $0x38;
	[tilespmem:$0x18980] =	vst v63  }
0x88: {  	_ =	swait.ge @p0 [sflag:s15], $0x4000  }
0x89: {  	[sflag:s15] =	ssyncset.done @p0 $0x0  }
0x8a: {  	[sflag:s15] =	ssyncadd.s32 @p0 $0xFFFFC000  }
0x8b: {  	[hbm4b:s24+s17] =	stream.linear.scatter @p0 [tilespmem:s13], [sflag:s31], $0x4000, $0x38;
	[tilespmem:$0x18980] =	vst v63  }
0x8c: {  	_ =	swait.ge @p0 [sflag:s31], $0x4000  }
0x8d: {  	[sflag:s31] =	ssyncset.done @p0 $0x0  }
0x8e: {  	[sflag:s31] =	ssyncadd.s32 @p0 $0xFFFFC000  }
0x8f: {  	[tilespmem:s13], [sflag:$0x2] =	stream.linear.gather @p0 [spmem:s7], $0x4000, $0x38;
	[tilespmem:$0x18980] =	vst v63  }
0x90: {  	_ =	swait.ge @p0 [sflag:s15], $0x4000  }
0x91: {  	[sflag:s15] =	ssyncset.done @p0 $0x0  }
0x92: {  	[sflag:s15] =	ssyncadd.s32 @p0 $0xFFFFC000  }
0x93: {  	[hbm4b:s25+s17] =	stream.linear.scatter @p0 [tilespmem:s13], [sflag:s31], $0x4000, $0x38;
	[tilespmem:$0x18980] =	vst v63  }
0x94: {  	_ =	swait.ge @p0 [sflag:s31], $0x4000  }
0x95: {  	[sflag:s31] =	ssyncset.done @p0 $0x0  }
0x96: {  	[sflag:s31] =	ssyncadd.s32 @p0 $0xFFFFC000  }
0x97: {  	[tilespmem:s13], [sflag:$0x1] =	stream.linear.gather @p0 [spmem:s0], $0x800, $0x38;
	[tilespmem:$0x18980] =	vst v63  }
0x98: {  	s13 =	simm.s32 @p0 $0x1  }
0x99: {  	_ =	swait.ge @p0 [sflag:s13], $0x800  }
0x9a: {  	s15 =	simm.s32 @!p1 $0x80;
	[sflag:s13] =	ssyncset.done @p0 $0x0  }
0x9b: {  	s17 =	rddreg [dreg:$0x6];
	[sflag:s13] =	ssyncadd.s32 @p0 $0xFFFFF800;
	s13 =	simm.s32 @!p1 $0x0  }
0x9c: {  	[hbm4b:s17+s13] =	stream.linear.scatter @!p1 [tilespmem:s15], [sflag:$0x1], $0x800, $0x38;
	[tilespmem:$0x18980] =	vst v63  }
0x9d: {  	s13 =	simm.s32 @!p1 $0x1  }
0x9e: {  	_ =	swait.ge @!p1 [sflag:s13], $0x800  }
0x9f: {  	s15 =	simm.s32 @!p2 $0x80;
	[sflag:s13] =	ssyncset.done @!p1 $0x0  }
0xa0: {  	s17 =	rddreg [dreg:$0x5];
	[sflag:s13] =	ssyncadd.s32 @!p1 $0xFFFFF800;
	s13 =	simm.s32 @!p2 $0x0  }
0xa1: {  	[hbm4b:s17+s13] =	stream.linear.scatter @!p2 [tilespmem:s15], [sflag:$0x1], $0x800, $0x38;
	[tilespmem:$0x18980] =	vst v63  }
0xa2: {  	s13 =	simm.s32 @!p2 $0x1  }
0xa3: {  	_ =	swait.ge @!p2 [sflag:s13], $0x800  }
0xa4: {  	[sflag:s13] =	ssyncset.done @!p2 $0x0  }
0xa5: {  	s15 =	simm.s32 @!p0 $0x2;
	[sflag:s13] =	ssyncadd.s32 @!p2 $0xFFFFF800;
	s13 =	simm.s32 @!p0 $0x80  }
0xa6: {  	[tilespmem:s13], [sflag:$0x2] =	stream.linear.gather @!p0 [spmem:s5], $0x4000, $0x38;
	[tilespmem:$0x18980] =	vst v63  }
0xa7: {  	_ =	swait.ge @!p0 [sflag:s15], $0x4000  }
0xa8: {  	[sflag:s15] =	ssyncset.done @!p0 $0x0  }
0xa9: {  	s17 =	simm.s32 @!p0 $0x0;
	s18 =	rddreg [dreg:$0xf];
	[sflag:s15] =	ssyncadd.s32 @!p0 $0xFFFFC000  }
0xaa: {  	[hbm4b:s18+s17] =	stream.linear.scatter @!p0 [tilespmem:s13], [sflag:s31], $0x4000, $0x38;
	[tilespmem:$0x18980] =	vst v63  }
0xab: {  	_ =	swait.ge @!p0 [sflag:s31], $0x4000  }
0xac: {  	[sflag:s31] =	ssyncset.done @!p0 $0x0  }
0xad: {  	s18 =	rddreg [dreg:$0x8];
	[sflag:s31] =	ssyncadd.s32 @!p0 $0xFFFFC000  }
0xae: {  	[tilespmem:s13], [sflag:$0x2] =	stream.linear.gather @!p0 [spmem:s18], $0x4000, $0x38;
	[tilespmem:$0x18980] =	vst v63  }
0xaf: {  	_ =	swait.ge @!p0 [sflag:s15], $0x4000  }
0xb0: {  	[sflag:s15] =	ssyncset.done @!p0 $0x0  }
0xb1: {  	[sflag:s15] =	ssyncadd.s32 @!p0 $0xFFFFC000  }
0xb2: {  	[hbm4b:s20+s17] =	stream.linear.scatter @!p0 [tilespmem:s13], [sflag:s31], $0x4000, $0x38;
	[tilespmem:$0x18980] =	vst v63  }
0xb3: {  	_ =	swait.ge @!p0 [sflag:s31], $0x4000  }
0xb4: {  	[sflag:s31] =	ssyncset.done @!p0 $0x0  }
0xb5: {  	s18 =	rddreg [dreg:$0xc];
	[sflag:s31] =	ssyncadd.s32 @!p0 $0xFFFFC000  }
0xb6: {  	[tilespmem:s13], [sflag:$0x2] =	stream.linear.gather @!p0 [spmem:s18], $0x4000, $0x38;
	[tilespmem:$0x18980] =	vst v63  }
0xb7: {  	_ =	swait.ge @!p0 [sflag:s15], $0x4000  }
0xb8: {  	[sflag:s15] =	ssyncset.done @!p0 $0x0  }
0xb9: {  	[sflag:s15] =	ssyncadd.s32 @!p0 $0xFFFFC000  }
0xba: {  	[hbm4b:s21+s17] =	stream.linear.scatter @!p0 [tilespmem:s13], [sflag:s31], $0x4000, $0x38;
	[tilespmem:$0x18980] =	vst v63  }
0xbb: {  	_ =	swait.ge @!p0 [sflag:s31], $0x4000  }
0xbc: {  	[sflag:s31] =	ssyncset.done @!p0 $0x0  }
0xbd: {  	s18 =	rddreg [dreg:$0xd];
	[sflag:s31] =	ssyncadd.s32 @!p0 $0xFFFFC000  }
0xbe: {  	[tilespmem:s13], [sflag:$0x2] =	stream.linear.gather @!p0 [spmem:s18], $0x4000, $0x38;
	[tilespmem:$0x18980] =	vst v63  }
0xbf: {  	_ =	swait.ge @!p0 [sflag:s15], $0x4000  }
0xc0: {  	[sflag:s15] =	ssyncset.done @!p0 $0x0  }
0xc1: {  	[sflag:s15] =	ssyncadd.s32 @!p0 $0xFFFFC000  }
0xc2: {  	[hbm4b:s22+s17] =	stream.linear.scatter @!p0 [tilespmem:s13], [sflag:s31], $0x4000, $0x38;
	[tilespmem:$0x18980] =	vst v63  }
0xc3: {  	_ =	swait.ge @!p0 [sflag:s31], $0x4000  }
0xc4: {  	[sflag:s31] =	ssyncset.done @!p0 $0x0  }
0xc5: {  	s17 =	rddreg [dreg:$0xe];
	[sflag:s31] =	ssyncadd.s32 @!p0 $0xFFFFC000  }
0xc6: {  	[tilespmem:s13], [sflag:$0x2] =	stream.linear.gather @!p0 [spmem:s17], $0x4000, $0x38;
	[tilespmem:$0x18980] =	vst v63  }
0xc7: {  	_ =	swait.ge @!p0 [sflag:s15], $0x4000  }
0xc8: {  	s13 =	simm.s32 @!p3 $0x0;
	[sflag:s15] =	ssyncset.done @!p0 $0x0  }
0xc9: {  	s17 =	rddreg [dreg:$0xb];
	[sflag:s15] =	ssyncadd.s32 @!p0 $0xFFFFC000;
	s15 =	simm.s32 @!p3 $0x80  }
0xca: {  	[hbm4b:s17+s13] =	stream.linear.scatter @!p3 [tilespmem:s15], [sflag:$0x2], $0x4000, $0x38;
	[tilespmem:$0x18980] =	vst v63  }
0xcb: {  	s13 =	simm.s32 @!p3 $0x2  }
0xcc: {  	_ =	swait.ge @!p3 [sflag:s13], $0x4000  }
0xcd: {  	s15 =	simm.s32 @!p4 $0x80;
	[sflag:s13] =	ssyncset.done @!p3 $0x0  }
0xce: {  	s17 =	rddreg [dreg:$0x9];
	[sflag:s13] =	ssyncadd.s32 @!p3 $0xFFFFC000;
	s13 =	simm.s32 @!p4 $0x0  }
0xcf: {  	[hbm4b:s17+s13] =	stream.linear.scatter @!p4 [tilespmem:s15], [sflag:$0x1], $0x4000, $0x38;
	[tilespmem:$0x18980] =	vst v63  }
0xd0: {  	s13 =	simm.s32 @!p4 $0x1  }
0xd1: {  	_ =	swait.ge @!p4 [sflag:s13], $0x4000  }
0xd2: {  	s12 =	sadd.s32 $0x1, s12;
	s19 =	rddreg [dreg:$0x7]  }
0xd3: {  	p5 =	sne.s32 s12, s19  }
.Ltmp1:
0xd4: {  	_ = 	snop;
	(pc) =	sbr.rel @p5 .LBB2_1-.Ltmp1, $3  }
0xd5: {  	_ =	sdelay $0x1  }
0xd6: {  	[sflag:s13] =	ssyncset.done @!p4 $0x0  }
0xd7: {  	[sflag:s13] =	ssyncadd.s32 @!p4 $0xFFFFC000  }
0xd8: {  	_ =	sfence.sel $0x180000  }
0xd9: {  	[bflag:$0x0] =	sbarrier.arrive $0xFFFF  }
0xda: {  	_ =	strace $0x9000004A  }
0xdb: {  	s0 =	stileid.u32;
	[bflag:$0x2] =	sbarrier.arrive $0xFFFF  }
0xdc: {  	p0 =	sne.s32 s0, $0x0;
	s0 =	rddreg [dreg:$0x3]  }
0xdd: {  	s0 =	sadd.s32 @!p0 $0x100000, s0  }
0xde: {  	[sflag:s0] =	ssyncadd.tile.s32 @!p0 $0x1;
	_ =	shalt  }
.Lfunc_end2:
_tile_overlayer_lowered:
.L_overlay_start_2:
0xdf: {  	(tag) =	ssettag $0x2  }
0xe0: {  	s0 =	rddreg [dreg:$0x0];
	s2 =	stileid.u32  }
0xe1: {  	s1 =	rddreg [dreg:$0x1];
	p0 =	sne.s32 s2, $0x0  }
0xe2: {  	s3 =	rddreg [dreg:$0x2];
	[bflag:$0x3] =	sbarrier.arrive $0xFFFF;
	s2 =	simm.s32 @!p0 $0x1C01  }
0xe3: {  	[timem:s3], [sflag:s2] =	dma.local @!p0 [hbm:s0], s1  }
0xe4: {  	s0 =	simm.s32 @!p0 $0x1  }
0xe5: {  	_ =	swait.ge @!p0 [sflag:s0], s1  }
0xe6: {  	s1 =	ssub.s32 @!p0 $0x0, s1;
	[sflag:s0] =	ssyncset.done @!p0 $0x0  }
0xe7: {  	[sflag:s0] =	ssyncadd.s32 @!p0 s1  }
0xe8: {  	[bflag:$0x3] =	sbarrier.arrive $0xFFFF  }
0xe9: {  	_ =	shalt  }

// kernel: kernel.8.cloned.1.call-start
scs
__scs_entry_jumppad:
0x0: {  	(pc) =	sbr.rel $0x88, $3  }
0x1: {  	(tag) =	ssettag $0x0;
	lr =	simm.s32 $0x1  }
0x2: {  	[smem:$0x3F92] =	sst lr;
	_ =	strace $0xD0000000  }
0x3: {  	_ = 	snop  }
0x4: {  	_ = 	snop  }
0x5: {  	_ = 	snop  }
0x6: {  	_ = 	snop  }
0x7: {  	_ = 	snop  }
__scs_overlays_trampoline_lowered:
0x8: {  	[smem:$0x3FA1] =	sst s0  }
0x9: {  	[smem:$0x3FA2] =	sst s1  }
0xa: {  	[smem:$0x3FA3] =	sst s2  }
0xb: {  	[smem:$0x3FA4] =	sst s3  }
0xc: {  	[smem:$0x3FA5] =	sst s4  }
0xd: {  	[smem:$0x3FA6] =	sst s5  }
0xe: {  	[smem:$0x3FA7] =	sst s6  }
0xf: {  	[smem:$0x3FA8] =	sst s7  }
0x10: {  	[smem:$0x3FA9] =	sst s8  }
0x11: {  	[smem:$0x3FAA] =	sst s9;
	s0 =	simm.s32 @!p0 $0x0  }
0x12: {  	s1 =	sld [smem:$0x3F90];
	s0 =	simm.s32 @p0 $0x1  }
0x13: {  	[smem:$0x3FAB] =	sst s0;
	s0 =	simm.s32 @!p1 $0x0  }
0x14: {  	s2 =	sld [smem:$0x3F8F];
	s0 =	simm.s32 @p1 $0x1  }
0x15: {  	[smem:$0x3FAC] =	sst s0;
	s0 =	simm.s32 @!p2 $0x0  }
0x16: {  	s3 =	sld [smem:$0x3FDB];
	s0 =	simm.s32 @p2 $0x1  }
0x17: {  	s4 =	simm.s32 $0x1BF5;
	[smem:$0x3FAE] =	sst s0  }
0x18: {  	s0 =	sld [smem:$0x3F91];
	_ =	swait.ge [sflag:s4], $0x0  }
0x19: {  	s7 =	sld [smem:$0x3F92]  }
0x1a: {  	s8 =	sadd.s32 $0xFFFFE003, lr  }
0x1b: {  	s9 =	sadd.s32 $0xFFFFFEF7, lr;
	s5 =	simm.s32 $0xFFFFFFFF;
	p2 =	slt.u32 s8, $0xFFFFF086  }
0x1c: {  	p1 =	slt.u32 s9, $0xF7A;
	s5 =	simm.s32 @!p2 $0x0  }
0x1d: {  	s5 =	simm.s32 @p1 $0x1;
	p0 =	seq.s32 s7, s2  }
0x1e: {  	s7 =	smul.u32 @!p0 $0xF7A, s2;
	p2 =	seq.s32 @!p0 s5, $0x0  }
0x1f: {  	s9 =	smul.u32 $0xF7A, s1;
	s8 =	simm.s32 @!p0 $0x1BF5;
	p2 =	por !p2, p0  }
0x20: {  	[sflag:s8] =	ssyncset.s32 @!p0 $0xFFFFF086;
	s6 =	sadd.s32 @!p0 s3, s7;
	s7 =	simm.s32 @!p0 $0x108  }
0x21: {  	s3 =	sadd.s32 s3, s9;
	s6 =	sadd.s32 @!p0 $0x88, s6;
	s7 =	simm.s32 @p2 $0x1082  }
0x22: {  	[simem:s7], [sflag:s8] =	dma.local @!p0 [hbm:s6], $0xF7A  }
0x23: {  	s9 =	sor.u32 $0xD0000000, s2;
	s6 =	simm.s32 $0x108;
	_ =	swait.ge @!p0 [sflag:s8], $0x0  }
0x24: {  	s3 =	sadd.s32 $0x88, s3;
	s6 =	simm.s32 @!p1 $0x1082;
	[sflag:s4] =	ssyncset.s32 $0xFFFFF086  }
0x25: {  	[simem:s6], [sflag:s4] =	dma.local [hbm:s3], $0xF7A  }
0x26: {  	[smem:$0x3F92] =	sst s1;
	(tag) =	ssettag s2;
	_ =	strace s9  }
0x27: {  	s1 =	sld [smem:$0x3FA2]  }
0x28: {  	s2 =	sld [smem:$0x3FA3]  }
0x29: {  	s4 =	sld [smem:$0x3FA5]  }
0x2a: {  	p0 =	seq.s32 s5, $0x0;
	s5 =	sld [smem:$0x3FA6]  }
0x2b: {  	s6 =	sld [smem:$0x3FA7]  }
0x2c: {  	s7 =	sld [smem:$0x3FA8]  }
0x2d: {  	s3 =	simm.s32 $0x108;
	s8 =	sld [smem:$0x3FA9]  }
0x2e: {  	s3 =	simm.s32 @!p0 $0x1082;
	s9 =	sld [smem:$0x3FAA]  }
0x2f: {  	lr =	sadd.s32 s0, s3;
	s0 =	sld [smem:$0x3FA1]  }
0x30: {  	s3 =	sld [smem:$0x3FA4]  }
0x31: {  	[smem:$0x3FAD] =	sst s10  }
0x32: {  	s10 =	sld [smem:$0x3FAB];
	_ =	sdelay $0x3  }
0x33: {  	p0 =	seq.s32 s10, $0x1;
	s10 =	sld [smem:$0x3FAD];
	_ =	sdelay $0x3  }
0x34: {  	[smem:$0x3FAD] =	sst s10  }
0x35: {  	s10 =	sld [smem:$0x3FAC];
	_ =	sdelay $0x3  }
0x36: {  	p1 =	seq.s32 s10, $0x1;
	s10 =	sld [smem:$0x3FAD];
	_ =	sdelay $0x3  }
0x37: {  	[smem:$0x3FAD] =	sst s10  }
0x38: {  	s10 =	sld [smem:$0x3FAE]  }
0x39: {  	_ = 	snop;
	(pc) =	sbr.ind lr, $3  }
0x3a: {  	_ = 	snop  }
0x3b: {  	_ = 	snop  }
0x3c: {  	p2 =	seq.s32 s10, $0x1;
	s10 =	sld [smem:$0x3FAD]  }
0x3d: {  	_ =	shalt  }
0x3e: {  	_ =	shalt  }
0x3f: {  	_ =	shalt  }
0x40: {  	_ =	shalt  }
0x41: {  	_ =	shalt  }
0x42: {  	_ =	shalt  }
0x43: {  	_ =	shalt  }
0x44: {  	_ =	shalt  }
0x45: {  	_ =	shalt  }
0x46: {  	_ =	shalt  }
0x47: {  	_ =	shalt  }
0x48: {  	_ =	shalt  }
0x49: {  	_ =	shalt  }
0x4a: {  	_ =	shalt  }
0x4b: {  	_ =	shalt  }
0x4c: {  	_ =	shalt  }
0x4d: {  	_ =	shalt  }
0x4e: {  	_ =	shalt  }
0x4f: {  	_ =	shalt  }
0x50: {  	_ =	shalt  }
0x51: {  	_ =	shalt  }
0x52: {  	_ =	shalt  }
0x53: {  	_ =	shalt  }
0x54: {  	_ =	shalt  }
0x55: {  	_ =	shalt  }
0x56: {  	_ =	shalt  }
0x57: {  	_ =	shalt  }
0x58: {  	_ =	shalt  }
0x59: {  	_ =	shalt  }
0x5a: {  	_ =	shalt  }
0x5b: {  	_ =	shalt  }
0x5c: {  	_ =	shalt  }
0x5d: {  	_ =	shalt  }
0x5e: {  	_ =	shalt  }
0x5f: {  	_ =	shalt  }
0x60: {  	_ =	shalt  }
0x61: {  	_ =	shalt  }
0x62: {  	_ =	shalt  }
0x63: {  	_ =	shalt  }
0x64: {  	_ =	shalt  }
0x65: {  	_ =	shalt  }
0x66: {  	_ =	shalt  }
0x67: {  	_ =	shalt  }
0x68: {  	_ =	shalt  }
0x69: {  	_ =	shalt  }
0x6a: {  	_ =	shalt  }
0x6b: {  	_ =	shalt  }
0x6c: {  	_ =	shalt  }
0x6d: {  	_ =	shalt  }
0x6e: {  	_ =	shalt  }
0x6f: {  	_ =	shalt  }
0x70: {  	_ =	shalt  }
0x71: {  	_ =	shalt  }
0x72: {  	_ =	shalt  }
0x73: {  	_ =	shalt  }
0x74: {  	_ =	shalt  }
0x75: {  	_ =	shalt  }
0x76: {  	_ =	shalt  }
0x77: {  	_ =	shalt  }
0x78: {  	_ =	shalt  }
0x79: {  	_ =	shalt  }
0x7a: {  	_ =	shalt  }
0x7b: {  	_ =	shalt  }
0x7c: {  	_ =	shalt  }
0x7d: {  	_ =	shalt  }
0x7e: {  	_ =	shalt  }
0x7f: {  	_ =	shalt  }
0x80: {  	_ =	shalt  }
0x81: {  	_ =	shalt  }
0x82: {  	_ =	shalt  }
0x83: {  	_ =	shalt  }
0x84: {  	_ =	shalt  }
0x85: {  	_ =	shalt  }
0x86: {  	_ =	shalt  }
0x87: {  	_ =	shalt  }
.Lfunc_end0:
.L_simem_size_0:
called_computation_lowered:
.L_overlay_start_0:
0x88: {  	s2 =	sld [smem:$0x3FD9]  }
0x89: {  	s3 =	sld [smem:$0x3FFE];
	_ =	sdelay $0x1  }
0x8a: {  	s1 =	srdreg.scid  }
0x8b: {  	s0 =	sand.u32 $0x1, s1  }
0x8c: {  	s14 =	sshll.u32 s0, $0xA;
	s2 =	sadd.s32 s3, s2  }
0x8d: {  	s2 =	sadd.s32 s2, s14  }
0x8e: {  	[smem:$0x3FB9] =	sst s2  }
0x8f: {  	_ = 	snop  }
0x90: {  	s2 =	sld [smem:$0x3FD0];
	_ =	sdelay $0x1  }
0x91: {  	s15 =	sld [smem:$0x3FC9]  }
0x92: {  	s5 =	simm.s32 $0xA;
	s6 =	simm.s32 $0x10;
	s4 =	sld [smem:$0x3FC6]  }
0x93: {  	[smem:s6], [sflag:s5] =	dma.local [hbm:s2], $0x1  }
0x94: {  	_ =	swait.eq [sflag:s5], $0x1  }
0x95: {  	[sflag:s5] =	ssyncset.done $0x0  }
0x96: {  	[sflag:s5] =	ssyncadd.s32 $0xFFFFFFFF  }
0x97: {  	s16 =	sld [smem:$0x10];
	(tm) =	ssettm $0x1  }
0x98: {  	s17 =	sld [smem:$0x3FFB];
	_ =	sdelay $0x3  }
0x99: {  	_ =	strace s17  }
0x9a: {  	s5 =	sld [smem:$0x3FFC];
	_ =	sdelay $0x3  }
0x9b: {  	_ =	strace s5  }
0x9c: {  	s5 =	sld [smem:$0x3FFD];
	_ =	sdelay $0x3  }
0x9d: {  	_ =	strace s5  }
0x9e: {  	_ =	strace $0x8FFFFFFF  }
0x9f: {  	s18 =	sld [smem:$0x3FDB];
	_ =	sdelay $0x1  }
0xa0: {  	s19 =	simm.s32 $_scs_section_size  }
0xa1: {  	s7 =	simm.s32 $_size__tile_overlayer_lowered;
	s8 =	simm.s32 $_tile_overlayer_lowered  }
0xa2: {  	s22 =	simm.s32 $0x1BFF;
	s21 =	sshll.u32 s8, $0x1;
	s5 =	sadd.s32 s19, s18  }
0xa3: {  	s9 =	simm.s32 $0x0;
	s20 =	sshll.u32 s7, $0x1;
	s7 =	sadd.s32 s21, s5  }
0xa4: {  	[timem:s9], [sflag:s22] =	dma.local [hbm:s7], s20  }
0xa5: {  	_ =	swait.ge [sflag:s22], s20  }
0xa6: {  	s6 =	ssub.s32 $0x0, s20;
	[sflag:s22] =	ssyncset.done $0x0  }
0xa7: {  	[sflag:s22] =	ssyncadd.s32 s6;
	_ =	sdelay $0x1  }
0xa8: {  	s23 =	simm.s32 $0x1B8B  }
0xa9: {  	_ =	swait.ge [sflag:s23], $0x1  }
0xaa: {  	[sflag:s23] =	ssyncset.done $0x0  }
0xab: {  	s25 =	simm.s32 $0x1B8E;
	s24 =	sld [smem:$0x3FFE];
	[sflag:s23] =	ssyncadd.s32 $0xFFFFFFFF  }
0xac: {  	s26 =	simm.s32 $execute0_lowered;
	[smem:$0x3FD2] =	sst s25  }
0xad: {  	s7 =	sshll.u32 s26, $0x1;
	_ =	strace $0x80000046;
	[dreg:$0x1] =	wrdreg $0xFFFFFFFF  }
0xae: {  	s28 =	simm.s32 $_size_execute0_lowered;
	s5 =	sadd.s32 s5, s7;
	[dreg:$0x0] =	wrdreg $0x0  }
0xaf: {  	s7 =	sshll.u32 s28, $0x1;
	[dreg:$0x2] =	wrdreg s5  }
0xb0: {  	[dreg:$0x3] =	wrdreg s7  }
0xb1: {  	[dreg:$0x4] =	wrdreg $0xC0  }
0xb2: {  	_ =	task [dreg:s9], $0x5FFFF  }
0xb3: {  	[dreg:$0x1] =	wrdreg $0xFFFFFFFF  }
0xb4: {  	[dreg:$0x0] =	wrdreg $0x60  }
0xb5: {  	[dreg:$0x2] =	wrdreg s15  }
0xb6: {  	[dreg:$0x3] =	wrdreg s16  }
0xb7: {  	[dreg:$0x4] =	wrdreg s4  }
0xb8: {  	[dreg:$0x5] =	wrdreg s24  }
0xb9: {  	[dreg:$0x6] =	wrdreg $0x9  }
0xba: {  	_ =	task.clear_ibuf [dreg:s9], $0x7FFFF;
	_ =	strace $0x90000046  }
0xbb: {  	s29 =	simm.s32 $0x9;
	_ =	strace $0x80000048  }
0xbc: {  	_ =	swait.ge [sflag:s29], $0x1  }
0xbd: {  	[sflag:s29] =	ssyncadd.s32 $0xFFFFFFFF  }
0xbe: {  	_ =	strace $0x90000048  }
0xbf: {  	_ =	sfence  }
0xc0: {  	s30 =	sld [smem:$0x0];
	_ =	sdelay $0x2  }
0xc1: {  	s31 =	sshll.u32 s1, $0xD;
	s1 =	sshrl.u32 s1, $0x2  }
0xc2: {  	s3 =	sand.u32 $0x4000, s31;
	s1 =	sadd.s32 s1, s30  }
0xc3: {  	s0 =	sor.u32 s3, s0;
	s1 =	sshll.u32 s1, $0x11  }
0xc4: {  	s0 =	sor.u32 s1, s0  }
0xc5: {  	s0 =	sadd.s32 $0x8F2B, s0  }
0xc6: {  	[sflag:s0] =	ssyncadd.remote.s32 $0x1  }
0xc7: {  	_ =	sfence.sel $0xFFFF  }
0xc8: {  	[dreg:$0x0] =	wrdreg $0xFFFFFFFF;
	(pc) =	sbr.abs _section_cstart, $3  }
0xc9: {  	[dreg:$0x1] =	wrdreg $0xFFFFFFFF  }
0xca: {  	_ =	task.clear_ibuf [dreg:s9], $0x2FFFF;
	_ =	strace $0x9FFFFFFF  }
0xcb: {  	(tm) =	ssettm $0x7FFFFFFF  }
tec
execute0_lowered:
.L_overlay_start_1:
0x0: {  	(tag) =	ssettag $0x1  }
0x1: {  	s1 =	rddreg [dreg:$0x0]  }
0x2: {  	s17 =	rddreg [dreg:$0x1]  }
0x3: {  	s14 =	rddreg [dreg:$0x2];
	s2 =	srdreg.scid  }
0x4: {  	s0 =	stileid.u32;
	s4 =	rddreg [dreg:$0x3]  }
0x5: {  	s3 =	simm.s32 $0x0;
	s24 =	simm.s32 $0x4900;
	s20 =	smul.u32 $0x4E20, s0  }
0x6: {  	s15 =	sand.u32 $0x1, s2;
	s5 =	sshll.u32 s0, $0x1;
	s30 =	smul.u32 $0x4E200, s0  }
0x7: {  	[smem:$0x7FF] =	sst s3;
	s16 =	sadd.s32 $0xCC00, s4;
	s22 =	smul.u32 $0x2710, s15  }
0x8: {  	s4 =	sadd.s32 $0x4EEC00, s4;
	s21 =	sor.u32 s15, s5;
	s23 =	smul.u32 $0x27100, s15  }
0x9: {  	s8 =	sadd.s32 $0x27000, s1;
	s6 =	ssub.s32 $0x2, s15;
	s5 =	smul.u32 $0x2710, s21  }
0xa: {  	_ =	strace $0x80000047;
	s7 =	sshrl.u32 s6, $0x1;
	s13 =	smul.u32 $0x138, s21  }
0xb: {  	s11 =	smul.u32 $0x1380, s21;
	p0 =	sne.s32 s21, $0x1F;
	s21 =	simm.s32 $0x4080  }
0xc: {  	s9 =	ssub.s32 s6, s7;
	s7 =	sadd.s32 $0x4E0, s14;
	s20 =	sadd.s32 s22, s20  }
0xd: {  	s22 =	simm.s32 $0x10;
	s5 =	sadd.s32 $0x2700, s5;
	s9 =	smax.u32 s9, $0x1  }
0xe: {  	s10 =	sshrl.u32 s13, $0x3;
	s18 =	sadd.s32 $0x68, s13;
	s11 =	sadd.s32 s1, s11  }
0xf: {  	s19 =	sadd.s32 $0xD0, s13;
	s31 =	sshrl.u32 s20, $0x3;
	s20 =	simm.s32 $0x1  }
0x10: {  	s25 =	sshrl.u32 s5, $0x3;
	s26 =	sshll.u32 s5, $0x4;
	s10 =	sadd.s32 s14, s10  }
0x11: {  	s12 =	sshrl.u32 s18, $0x3;
	s28 =	sshll.u32 s18, $0x4;
	s29 =	sshrl.u32 s19, $0x3  }
0x12: {  	s19 =	sshll.u32 s19, $0x4;
	s18 =	simm.s32 $0x2;
	s5 =	sadd.s32 s17, s25  }
0x13: {  	s6 =	sadd.s32 s16, s26;
	s12 =	sadd.s32 s14, s12;
	s13 =	sadd.s32 s1, s28  }
0x14: {  	s14 =	sadd.s32 s14, s29;
	s15 =	sadd.s32 s1, s19;
	s16 =	sadd.s32 s30, s16  }
0x15: {  	s17 =	sadd.s32 s31, s17;
	s19 =	simm.s32 $0x80;
	s25 =	simm.s32 $0x68  }
0x16: {  	s26 =	simm.s32 $0x0;
	s16 =	sadd.s32 s23, s16;
	s23 =	simm.s32 $0x4100  }
.LBB2_1:
0x17: {  	s28 =	sadd.s32 $0x0, s17  }
0x18: {  	[tilespmem:s3], [sflag:$0x2] =	stream.linear.gather [hbm4b:s28+s3], $0x80, $0x38;
	[tilespmem:$0x4980] =	vst v63  }
0x19: {  	_ =	swait.ge [sflag:s18], $0x80  }
0x1a: {  	[sflag:s18] =	ssyncset.done $0x0  }
0x1b: {  	[sflag:s18] =	ssyncadd.s32 $0xFFFFFF80  }
0x1c: {  	[tilespmem:s19], [sflag:$0x1] =	stream.indirect.gather [hbm4b:s1+s19], $0x80, s3, s19, $0xb8;
	[tilespmem:$0x4980] =	vst v63  }
0x1d: {  	_ =	swait.ge [sflag:s20], $0x4000  }
0x1e: {  	[sflag:s20] =	ssyncset.done $0x0  }
0x1f: {  	[sflag:s20] =	ssyncadd.s32 $0xFFFFC000  }
0x20: {  	[hbm4b:s16+s3] =	stream.linear.scatter [tilespmem:s19], [sflag:$0x2], $0x4000, $0x38;
	[tilespmem:$0x4980] =	vst v63  }
0x21: {  	s29 =	simm.s32 $0x10;
	_ =	swait.ge [sflag:s18], $0x4000  }
0x22: {  	s30 =	simm.s32 $0x20;
	s28 =	sadd.s32 $0x800, s16;
	[sflag:s18] =	ssyncset.done $0x0  }
.LBB2_2:
0x23: {  	s31 =	sadd.s32 s29, s17  }
0x24: {  	[sflag:s18] =	ssyncadd.s32 $0xFFFFC000;
	s29 =	smov.u32 s30;
	s2 =	sadd.s32 $0x10, s30  }
0x25: {  	[tilespmem:s3], [sflag:$0x2] =	stream.linear.gather [hbm4b:s31+s3], $0x80, $0x38;
	[tilespmem:$0x4980] =	vst v63  }
0x26: {  	p1 =	sne.s32 s30, $0x4D0;
	_ =	swait.ge [sflag:s18], $0x80  }
0x27: {  	[sflag:s18] =	ssyncset.done $0x0  }
0x28: {  	[sflag:s18] =	ssyncadd.s32 $0xFFFFFF80  }
0x29: {  	[tilespmem:s19], [sflag:$0x1] =	stream.indirect.gather [hbm4b:s1+s19], $0x80, s3, s19, $0xb8;
	[tilespmem:$0x4980] =	vst v63  }
0x2a: {  	_ =	swait.ge [sflag:s20], $0x4000  }
.Ltmp0:
0x2b: {  	[sflag:s20] =	ssyncset.done $0x0;
	(pc) =	sbr.rel @p1 .LBB2_2-.Ltmp0, $4  }
0x2c: {  	[sflag:s20] =	ssyncadd.s32 $0xFFFFC000  }
0x2d: {  	[hbm4b:s28+s3] =	stream.linear.scatter [tilespmem:s19], [sflag:$0x2], $0x4000, $0x38;
	[tilespmem:$0x4980] =	vst v63  }
0x2e: {  	_ =	swait.ge [sflag:s18], $0x4000  }
0x2f: {  	s30 =	smov.u32 s2;
	s28 =	sadd.s32 $0x800, s28;
	[sflag:s18] =	ssyncset.done $0x0  }
0x30: {  	s2 =	sadd.s32 s29, s17;
	[sflag:s18] =	ssyncadd.s32 $0xFFFFC000  }
0x31: {  	[tilespmem:s3], [sflag:$0x2] =	stream.linear.gather [hbm4b:s2+s3], $0x80, $0x38;
	[tilespmem:$0x4980] =	vst v63  }
0x32: {  	_ =	swait.ge [sflag:s18], $0x80  }
0x33: {  	[sflag:s18] =	ssyncset.done $0x0  }
0x34: {  	[sflag:s18] =	ssyncadd.s32 $0xFFFFFF80  }
0x35: {  	[tilespmem:s19], [sflag:$0x1] =	stream.indirect.gather [hbm4b:s1+s19], $0x80, s3, s19, $0xb8;
	[tilespmem:$0x4980] =	vst v63  }
0x36: {  	_ =	swait.ge [sflag:s20], $0x4000  }
0x37: {  	[sflag:s20] =	ssyncset.done $0x0  }
0x38: {  	[sflag:s20] =	ssyncadd.s32 $0xFFFFC000  }
0x39: {  	[hbm4b:s28+s3] =	stream.linear.scatter [tilespmem:s19], [sflag:$0x2], $0x4000, $0x38;
	[tilespmem:$0x4980] =	vst v63  }
0x3a: {  	_ =	swait.ge [sflag:s18], $0x4000  }
0x3b: {  	[sflag:s18] =	ssyncset.done $0x0  }
0x3c: {  	[sflag:s18] =	ssyncadd.s32 $0xFFFFC000  }
0x3d: {  	[tilespmem:s21], [sflag:$0x2] =	stream.linear.gather [hbm4b:s5+s3], $0x10, $0x38;
	[tilespmem:$0x4980] =	vst v63  }
0x3e: {  	_ =	swait.ge [sflag:s18], $0x10  }
0x3f: {  	[sflag:s18] =	ssyncset.done $0x0  }
0x40: {  	[sflag:s18] =	ssyncadd.s32 $0xFFFFFFF0  }
0x41: {  	[tilespmem:s23], [sflag:$0x1] =	stream.indirect.gather [hbm4b:s1+s22], $0x80, s21, s22, $0xb8;
	[tilespmem:$0x4980] =	vst v63  }
0x42: {  	_ =	swait.ge [sflag:s20], $0x800  }
0x43: {  	[sflag:s20] =	ssyncset.done $0x0  }
0x44: {  	[sflag:s20] =	ssyncadd.s32 $0xFFFFF800  }
0x45: {  	[hbm4b:s6+s3] =	stream.linear.scatter [tilespmem:s23], [sflag:$0x2], $0x800, $0x38;
	[tilespmem:$0x4980] =	vst v63  }
0x46: {  	_ =	swait.ge [sflag:s18], $0x800  }
0x47: {  	[sflag:s18] =	ssyncset.done $0x0  }
0x48: {  	[sflag:s18] =	ssyncadd.s32 $0xFFFFF800  }
0x49: {  	[tilespmem:s24], [sflag:$0x2] =	stream.linear.gather [hbm4b:s10+s3], $0x68, $0x38;
	[tilespmem:$0x4980] =	vst v63  }
0x4a: {  	_ =	swait.ge [sflag:s18], $0x68  }
0x4b: {  	[sflag:s18] =	ssyncset.done $0x0  }
0x4c: {  	[sflag:s18] =	ssyncadd.s32 $0xFFFFFF98  }
0x4d: {  	[tilespmem:s19], [sflag:$0x2] =	stream.linear.gather [hbm4b:s11+s3], $0x3400, $0x38;
	[tilespmem:$0x4980] =	vst v63  }
0x4e: {  	_ =	swait.ge [sflag:s18], $0x3400  }
0x4f: {  	[sflag:s18] =	ssyncset.done $0x0  }
0x50: {  	[sflag:s18] =	ssyncadd.s32 $0xFFFFCC00  }
0x51: {  	[hbm4b:s4+s25] =	stream.indirect.scatter [tilespmem:s19], [sflag:$0x1], $0x80, s24, s25, $0xb8;
	[tilespmem:$0x4980] =	vst v63  }
0x52: {  	_ =	swait.ge [sflag:s20], $0x3400  }
0x53: {  	[sflag:s20] =	ssyncset.done $0x0  }
0x54: {  	[sflag:s20] =	ssyncadd.s32 $0xFFFFCC00  }
0x55: {  	[tilespmem:s24], [sflag:$0x2] =	stream.linear.gather [hbm4b:s12+s3], $0x68, $0x38;
	[tilespmem:$0x4980] =	vst v63  }
0x56: {  	_ =	swait.ge [sflag:s18], $0x68  }
0x57: {  	[sflag:s18] =	ssyncset.done $0x0  }
0x58: {  	[sflag:s18] =	ssyncadd.s32 $0xFFFFFF98  }
0x59: {  	[tilespmem:s19], [sflag:$0x2] =	stream.linear.gather [hbm4b:s13+s3], $0x3400, $0x38;
	[tilespmem:$0x4980] =	vst v63  }
0x5a: {  	_ =	swait.ge [sflag:s18], $0x3400  }
0x5b: {  	[sflag:s18] =	ssyncset.done $0x0  }
0x5c: {  	[sflag:s18] =	ssyncadd.s32 $0xFFFFCC00  }
0x5d: {  	[hbm4b:s4+s25] =	stream.indirect.scatter [tilespmem:s19], [sflag:$0x1], $0x80, s24, s25, $0xb8;
	[tilespmem:$0x4980] =	vst v63  }
0x5e: {  	_ =	swait.ge [sflag:s20], $0x3400  }
0x5f: {  	[sflag:s20] =	ssyncset.done $0x0  }
0x60: {  	[sflag:s20] =	ssyncadd.s32 $0xFFFFCC00  }
0x61: {  	[tilespmem:s24], [sflag:$0x2] =	stream.linear.gather [hbm4b:s14+s3], $0x68, $0x38;
	[tilespmem:$0x4980] =	vst v63  }
0x62: {  	_ =	swait.ge [sflag:s18], $0x68  }
0x63: {  	[sflag:s18] =	ssyncset.done $0x0  }
0x64: {  	[sflag:s18] =	ssyncadd.s32 $0xFFFFFF98  }
0x65: {  	[tilespmem:s19], [sflag:$0x2] =	stream.linear.gather [hbm4b:s15+s3], $0x3400, $0x38;
	[tilespmem:$0x4980] =	vst v63  }
0x66: {  	_ =	swait.ge [sflag:s18], $0x3400  }
0x67: {  	[sflag:s18] =	ssyncset.done $0x0  }
0x68: {  	[sflag:s18] =	ssyncadd.s32 $0xFFFFCC00  }
0x69: {  	[hbm4b:s4+s25] =	stream.indirect.scatter [tilespmem:s19], [sflag:$0x1], $0x80, s24, s25, $0xb8;
	[tilespmem:$0x4980] =	vst v63  }
0x6a: {  	_ =	swait.ge [sflag:s20], $0x3400  }
0x6b: {  	s29 =	simm.s32 @!p0 $0x2;
	[sflag:s20] =	ssyncset.done $0x0  }
0x6c: {  	s2 =	simm.s32 @!p0 $0x0;
	s28 =	simm.s32 @!p0 $0x4080;
	[sflag:s20] =	ssyncadd.s32 $0xFFFFCC00  }
0x6d: {  	[tilespmem:s28], [sflag:$0x2] =	stream.linear.gather @!p0 [hbm4b:s7+s2], $0x10, $0x38;
	[tilespmem:$0x4980] =	vst v63  }
0x6e: {  	_ =	swait.ge @!p0 [sflag:s29], $0x10  }
0x6f: {  	[sflag:s29] =	ssyncset.done @!p0 $0x0  }
0x70: {  	s30 =	simm.s32 @!p0 $0x4100;
	[sflag:s29] =	ssyncadd.s32 @!p0 $0xFFFFFFF0  }
0x71: {  	[tilespmem:s30], [sflag:$0x2] =	stream.linear.gather @!p0 [hbm4b:s8+s2], $0x800, $0x38;
	[tilespmem:$0x4980] =	vst v63  }
0x72: {  	_ =	swait.ge @!p0 [sflag:s29], $0x800  }
0x73: {  	s26 =	sadd.s32 $0x1, s26;
	[sflag:s29] =	ssyncset.done @!p0 $0x0  }
0x74: {  	p1 =	sne.s32 s26, s9;
	s2 =	simm.s32 @!p0 $0x10;
	[sflag:s29] =	ssyncadd.s32 @!p0 $0xFFFFF800  }
0x75: {  	[hbm4b:s4+s2] =	stream.indirect.scatter @!p0 [tilespmem:s30], [sflag:$0x1], $0x80, s28, s2, $0xb8;
	[tilespmem:$0x4980] =	vst v63  }
.Ltmp1:
0x76: {  	_ = 	snop;
	(pc) =	sbr.rel @p1 .LBB2_1-.Ltmp1, $4  }
0x77: {  	s2 =	simm.s32 @!p0 $0x1  }
0x78: {  	_ =	swait.ge @!p0 [sflag:s2], $0x800  }
0x79: {  	[sflag:s2] =	ssyncset.done @!p0 $0x0  }
0x7a: {  	[sflag:s2] =	ssyncadd.s32 @!p0 $0xFFFFF800  }
0x7b: {  	_ =	sfence.sel $0x180000  }
0x7c: {  	[bflag:$0x0] =	sbarrier.arrive $0xFFFF  }
0x7d: {  	_ =	strace $0x90000047  }
0x7e: {  	[bflag:$0x2] =	sbarrier.arrive $0xFFFF  }
0x7f: {  	p0 =	sne.s32 s0, $0x0;
	s0 =	rddreg [dreg:$0x4]  }
0x80: {  	s0 =	sadd.s32 @!p0 $0x100000, s0  }
0x81: {  	[sflag:s0] =	ssyncadd.tile.s32 @!p0 $0x1;
	_ =	shalt  }
.Lfunc_end2:
_tile_overlayer_lowered:
.L_overlay_start_2:
0x82: {  	(tag) =	ssettag $0x2  }
0x83: {  	s0 =	rddreg [dreg:$0x0];
	s2 =	stileid.u32  }
0x84: {  	s1 =	rddreg [dreg:$0x1];
	p0 =	sne.s32 s2, $0x0  }
0x85: {  	s3 =	rddreg [dreg:$0x2];
	[bflag:$0x3] =	sbarrier.arrive $0xFFFF;
	s2 =	simm.s32 @!p0 $0x1C02  }
0x86: {  	[timem:s3], [sflag:s2] =	dma.local @!p0 [hbm:s0], s1  }
0x87: {  	s0 =	simm.s32 @!p0 $0x2  }
0x88: {  	_ =	swait.ge @!p0 [sflag:s0], s1  }
0x89: {  	s1 =	ssub.s32 @!p0 $0x0, s1;
	[sflag:s0] =	ssyncset.done @!p0 $0x0  }
0x8a: {  	[sflag:s0] =	ssyncadd.s32 @!p0 s1  }
0x8b: {  	[bflag:$0x3] =	sbarrier.arrive $0xFFFF  }
0x8c: {  	_ =	shalt  }

</sc_bundles>
